<compile_context>
chip_gen: v7x
topology: tpu7x:2x2x1
jax: 0.10.2.dev20260603
libtpu: 0.0.44.dev20260713+nightly
codegen_flags: <defaults>
</compile_context>

<pallas_src>
import functools

import jax
import jax.numpy as jnp
from jax import lax
from jax.experimental import pallas as pl
from jax.experimental.pallas import tpu as pltpu
from jax.experimental.pallas import tpu_sc as plsc

B, N, P, D = 8, 128, 512, 64
K = 52
KPAD = 64
NBLK = 128
NCHUNKS = N // NBLK
NC_SC, NS_SC = 2, 16
NTILES = NC_SC * NS_SC
TILES_PER_B = NTILES // B
LANES = 16
NVEC = P // LANES
NEG = -3.402823e38


def _dense_body(x_ref, norms_ref, meanp_ref, acc_ref):
    nc = pl.program_id(1)
    x = x_ref[0]
    norms_ref[...] = jnp.sqrt(jnp.sum(x * x, axis=1))[None]
    m_chunk = jnp.sum(x, axis=0)

    @pl.when(nc == 0)
    def _():
        acc_ref[...] = m_chunk

    @pl.when(nc != 0)
    def _():
        acc_ref[...] += m_chunk

    @pl.when(nc == NCHUNKS - 1)
    def _():
        meanp_ref[...] = (acc_ref[...] * jnp.float32(1.0 / N)).T[None]


def _dense_pass(patches_t):
    return pl.pallas_call(
        _dense_body,
        grid=(B, NCHUNKS),
        in_specs=[
            pl.BlockSpec((1, NBLK, D, P), lambda b, nc: (b, nc, 0, 0)),
        ],
        out_specs=[
            pl.BlockSpec((1, NBLK, P), lambda b, nc: (b, nc, 0)),
            pl.BlockSpec((1, P, D), lambda b, nc: (b, 0, 0)),
        ],
        out_shape=[
            jax.ShapeDtypeStruct((B, N, P), jnp.float32),
            jax.ShapeDtypeStruct((B, P, D), jnp.float32),
        ],
        scratch_shapes=[pltpu.VMEM((D, P), jnp.float32)],
        compiler_params=pltpu.CompilerParams(
            vmem_limit_bytes=100 * 1024 * 1024),
    )(patches_t)


def _sc_body(scores_hbm, meanp_hbm, out_hbm, vals_v, idx_v, rows_v, sem):
    wid = lax.axis_index("c") * NS_SC + lax.axis_index("s")
    b = wid // TILES_PER_B

    @pl.when(wid % TILES_PER_B == 0)
    def _():
        base = b * P
        pltpu.sync_copy(scores_hbm.at[b], vals_v)

        iota = lax.iota(jnp.int32, LANES)
        lane0 = iota == 0
        for jj in range(KPAD // LANES):
            idx_v[pl.ds(jj * LANES, LANES)] = jnp.full((LANES,), base,
                                                       jnp.int32)

        vecs0 = tuple(vals_v[pl.ds(j * LANES, LANES)] for j in range(NVEC))

        def topk_body(k, vecs):
            vm = vecs[0]
            for j in range(1, NVEC):
                vm = jnp.maximum(vm, vecs[j])
            m = jnp.max(vm)

            big = jnp.full((LANES,), 1 << 30, jnp.int32)
            vi = big
            for j in range(NVEC):
                vi = jnp.minimum(vi, jnp.where(vecs[j] == m,
                                               iota + j * LANES, big))
            pidx = jnp.min(vi)

            plsc.store_scatter(idx_v, [jnp.full((LANES,), k, jnp.int32)],
                               jnp.full((LANES,), pidx, jnp.int32) + base,
                               mask=lane0)
            return tuple(jnp.where(iota + j * LANES == pidx,
                                   jnp.float32(NEG), vecs[j])
                         for j in range(NVEC))

        lax.fori_loop(0, K, topk_body, vecs0)

        pltpu.async_copy(meanp_hbm.at[idx_v], rows_v, sem).wait()
        pltpu.sync_copy(rows_v.at[pl.ds(0, K)], out_hbm.at[b])


@functools.cache
def _sc_select():
    return functools.partial(
        pl.kernel,
        out_type=jax.ShapeDtypeStruct((B, K, D), jnp.float32),
        mesh=plsc.VectorSubcoreMesh(core_axis_name="c", subcore_axis_name="s",
                                    num_cores=NC_SC, num_subcores=NS_SC),
        compiler_params=pltpu.CompilerParams(needs_layout_passes=False,
                                             use_tc_tiling_on_sc=False),
        scratch_types=[
            pltpu.VMEM((P,), jnp.float32),
            pltpu.VMEM((KPAD,), jnp.int32),
            pltpu.VMEM((KPAD, D), jnp.float32),
            pltpu.SemaphoreType.DMA,
        ],
    )(_sc_body)


def kernel(patches, adp):
    norms, meanp = _dense_pass(jnp.transpose(patches, (0, 1, 3, 2)))
    importance = adp.mean(axis=0)
    scores = jnp.einsum('bnp,n->bp', norms, importance)
    anchors = _sc_select()(scores, meanp.reshape(B * P, D))
    return jnp.broadcast_to(anchors[:, None], (B, N, K, D)).reshape(B * N, K, D)

# --- scband reference (transcript-rebuilt; emitter-appended) ---
"""Pipeline reference for scband-graph-anchor-selector-8392366096620 (READ-ONLY COPY).

The authoritative reference and input builder live on the scoring server;
editing this copy changes nothing except your own understanding.
"""

import math
import jax, jax.numpy as jnp
import numpy as np

ANCHOR_RATIO = 0.1
MIN_ANCHORS = 1


def setup_inputs(seed: int = 0) -> dict:
    key = jax.random.key(seed)
    k1, k2 = jax.random.split(key)
    patches = jax.random.normal(k1, (8, 128, 512, 64), dtype=jnp.float32)
    adp = jax.random.uniform(k2, (128, 128), dtype=jnp.float32)
    return {"patches": patches, "adp": adp}


def reference(patches, adp):
    b, n, p, d = patches.shape
    if p == 0:
        return jnp.zeros((b * n, 0, d), dtype=patches.dtype)
    anchor_count = max(MIN_ANCHORS, int(math.ceil(p * ANCHOR_RATIO)))
    anchor_count = min(anchor_count, p)
    # importance = adp.mean(dim=0) -> [n]
    importance = adp.mean(axis=0)
    # patches.norm(dim=-1) -> [b, n, p]; weighted sum over n -> scores [b, p]
    norms = jnp.linalg.norm(patches, axis=-1)
    scores = jnp.einsum('bnp,n->bp', norms, importance)
    # topk over patch dim (dim=1) -> indices [b, anchor_count]
    _, topk_idx = jax.lax.top_k(scores, anchor_count)
    # patches[batch].mean(dim=0) -> mean over n: [b, p, d]
    mean_patches = patches.mean(axis=1)
    # gather anchor tokens: [b, anchor_count, d]
    anchors = jnp.take_along_axis(mean_patches, topk_idx[:, :, None], axis=1)
    # repeat over n then concat over batch -> [b*n, anchor_count, d]
    anchors = jnp.broadcast_to(anchors[:, None, :, :], (b, n, anchor_count, d))
    return anchors.reshape(b * n, anchor_count, d)

if __name__ == "__main__":
    import jax
    _d = setup_inputs()
    print(jax.jit(kernel)(*tuple(_d.values())))

</pallas_src>

<mosaic_0001>
#map = affine_map<(d0, d1) -> (0, 0)>
#map1 = affine_map<(d0, d1) -> (0, 0, 0)>
module attributes {stable_mosaic.version = 14 : i64} {
  func.func @_sc_body(%arg0: i32, %arg1: i32, %arg2: memref<8x512xf32, #tpu.memory_space<hbm>>, %arg3: memref<4096x64xf32, #tpu.memory_space<hbm>>, %arg4: memref<8x52x64xf32, #tpu.memory_space<hbm>>, %arg5: memref<512xf32, #tpu.memory_space<vmem>>, %arg6: memref<64xi32, #tpu.memory_space<vmem>>, %arg7: memref<64x64xf32, #tpu.memory_space<vmem>>, %arg8: memref<!tpu.dma_semaphore, #tpu.memory_space<semaphore_mem>>) attributes {dimension_semantics = [#tpu.dimension_semantics<core_parallel>, #tpu.dimension_semantics<subcore_parallel>], iteration_bounds = array<i64: 2, 16>, scalar_prefetch = 0 : i64, scratch_operands = 4 : i64, tpu.core_type = #tpu.core_type<sc_vector_subcore>, window_params = [{transform_indices = #map}, {transform_indices = #map}, {transform_indices = #map1}]} {
    %mul3A = arith.constant 16 : i32
    %mul3A_0 = arith.muli %arg0, %mul3A : i32
    %add3A = arith.addi %mul3A_0, %arg1 : i32
    %jit3A = arith.constant 4 : i32
    %div3A = arith.divsi %add3A, %jit3A : i32
    %sign3A = arith.constant 0 : i32
    %sign3A_1 = arith.cmpi sgt, %add3A, %sign3A : i32
    %sign3A_2 = arith.extui %sign3A_1 : i1 to i32
    %sign3A_3 = arith.constant 0 : i32
    %sign3A_4 = arith.cmpi slt, %add3A, %sign3A_3 : i32
    %sign3A_5 = arith.extui %sign3A_4 : i1 to i32
    %sign3A_6 = arith.subi %sign3A_2, %sign3A_5 : i32
    %sign3A_7 = arith.constant 0 : i32
    %sign3A_8 = arith.cmpi sgt, %jit3A, %sign3A_7 : i32
    %sign3A_9 = arith.extui %sign3A_8 : i1 to i32
    %sign3A_10 = arith.constant 0 : i32
    %sign3A_11 = arith.cmpi slt, %jit3A, %sign3A_10 : i32
    %sign3A_12 = arith.extui %sign3A_11 : i1 to i32
    %sign3A_13 = arith.subi %sign3A_9, %sign3A_12 : i32
    %ne3A = arith.cmpi ne, %sign3A_6, %sign3A_13 : i32
    %rem3A = arith.remsi %add3A, %jit3A : i32
    %ne3A_14 = arith.constant 0 : i32
    %ne3A_15 = arith.cmpi ne, %rem3A, %ne3A_14 : i32
    %and3A = arith.andi %ne3A, %ne3A_15 : i1
    %sub3A = arith.constant 1 : i32
    %sub3A_16 = arith.subi %div3A, %sub3A : i32
    %select_n3A = arith.select %and3A, %sub3A_16, %div3A : i32
    %jit3A_17 = arith.constant 4 : i32
    %eq3A = arith.constant 0 : i32
    %eq3A_18 = arith.cmpi eq, %jit3A_17, %eq3A : i32
    %jit3A_19 = arith.constant 1 : i32
    %select_n3A_20 = arith.select %eq3A_18, %jit3A_19, %jit3A_17 : i32
    %rem3A_21 = arith.remsi %add3A, %select_n3A_20 : i32
    %ne3A_22 = arith.constant 0 : i32
    %ne3A_23 = arith.cmpi ne, %rem3A_21, %ne3A_22 : i32
    %lt3A = arith.constant 0 : i32
    %lt3A_24 = arith.cmpi slt, %rem3A_21, %lt3A : i32
    %lt3A_25 = arith.constant 0 : i32
    %lt3A_26 = arith.cmpi slt, %select_n3A_20, %lt3A_25 : i32
    %ne3A_27 = arith.xori %lt3A_24, %lt3A_26 : i1
    %and3A_28 = arith.andi %ne3A_27, %ne3A_23 : i1
    %add3A_29 = arith.addi %rem3A_21, %select_n3A_20 : i32
    %select_n3A_30 = arith.select %and3A_28, %add3A_29, %rem3A_21 : i32
    %eq3A_31 = arith.constant 0 : i32
    %eq3A_32 = arith.cmpi eq, %select_n3A_30, %eq3A_31 : i32
    %convert_element_type3A = arith.extui %eq3A_32 : i1 to i32
    %cond3A = arith.constant 0 : i32
    %cond3A_33 = arith.cmpi ne, %convert_element_type3A, %cond3A : i32
    scf.if %cond3A_33 {
      %mul3A_34 = arith.constant 512 : i32
      %mul3A_35 = arith.muli %select_n3A, %mul3A_34 : i32
      "tpu.region"() ({
        %run_scoped3A = tpu.sem_alloc : memref<!tpu.dma_semaphore, #tpu.memory_space<semaphore_mem>>
        %dma_start3A_121 = arith.constant 0 : i32
        %dma_start3A_122 = tpu.memref_slice %arg2[%select_n3A, %dma_start3A_121] : memref<8x512xf32, #tpu.memory_space<hbm>> -> memref<1x512xf32, #tpu.memory_space<hbm>>
        %dma_start3A_123 = tpu.memref_squeeze %dma_start3A_122 : memref<1x512xf32, #tpu.memory_space<hbm>> -> memref<512xf32, #tpu.memory_space<hbm>>
        %dma_start3A_124 = arith.constant 0 : i32
        %dma_start3A_125 = tpu.memref_slice %arg2[%select_n3A, %dma_start3A_124] : memref<8x512xf32, #tpu.memory_space<hbm>> -> memref<1x512xf32, #tpu.memory_space<hbm>>
        %dma_start3A_126 = tpu.memref_squeeze %dma_start3A_125 : memref<1x512xf32, #tpu.memory_space<hbm>> -> memref<512xf32, #tpu.memory_space<hbm>>
        tpu.enqueue_dma source(%dma_start3A_126 : memref<512xf32, #tpu.memory_space<hbm>>) target(%arg5 : memref<512xf32, #tpu.memory_space<vmem>>) target_semaphore(%run_scoped3A : memref<!tpu.dma_semaphore, #tpu.memory_space<semaphore_mem>>)
        %dma_wait3A_127 = arith.constant 0 : i32
        %dma_wait3A_128 = tpu.memref_slice %arg2[%select_n3A, %dma_wait3A_127] : memref<8x512xf32, #tpu.memory_space<hbm>> -> memref<1x512xf32, #tpu.memory_space<hbm>>
        %dma_wait3A_129 = tpu.memref_squeeze %dma_wait3A_128 : memref<1x512xf32, #tpu.memory_space<hbm>> -> memref<512xf32, #tpu.memory_space<hbm>>
        %dma_wait3A_130 = arith.constant 0 : i32
        %dma_wait3A_131 = tpu.memref_slice %arg2[%select_n3A, %dma_wait3A_130] : memref<8x512xf32, #tpu.memory_space<hbm>> -> memref<1x512xf32, #tpu.memory_space<hbm>>
        %dma_wait3A_132 = tpu.memref_squeeze %dma_wait3A_131 : memref<1x512xf32, #tpu.memory_space<hbm>> -> memref<512xf32, #tpu.memory_space<hbm>>
        tpu.wait_dma2 semaphore(%run_scoped3A : memref<!tpu.dma_semaphore, #tpu.memory_space<semaphore_mem>>) src(%dma_wait3A_132 : memref<512xf32, #tpu.memory_space<hbm>>) dst(%arg5 : memref<512xf32, #tpu.memory_space<vmem>>)
        tpu.yield
      }) : () -> ()
      %iota3A = tpu.iota {dimensions = array<i32: 0>} : vector<16xi32>
      %eq3A_36 = arith.constant 0 : i32
      %eq3A_37 = vector.broadcast %eq3A_36 : i32 to vector<16xi32>
      %eq3A_38 = arith.cmpi eq, %iota3A, %eq3A_37 : vector<16xi32>
      %broadcast_in_dim3A = vector.broadcast %mul3A_35 : i32 to vector<16xi32>
      %swap3A = arith.constant 0 : index
      %swap3A_39 = tpu.vector_load %arg6[%swap3A] {strides = array<i32>} : memref<64xi32, #tpu.memory_space<vmem>>, vector<16xi32>,
      tpu.vector_store %arg6[%swap3A], %broadcast_in_dim3A {strides = array<i32>} : memref<64xi32, #tpu.memory_space<vmem>>, vector<16xi32>,
      %broadcast_in_dim3A_40 = vector.broadcast %mul3A_35 : i32 to vector<16xi32>
      %swap3A_41 = arith.constant 16 : index
      %swap3A_42 = tpu.vector_load %arg6[%swap3A_41] {strides = array<i32>} : memref<64xi32, #tpu.memory_space<vmem>>, vector<16xi32>,
      tpu.vector_store %arg6[%swap3A_41], %broadcast_in_dim3A_40 {strides = array<i32>} : memref<64xi32, #tpu.memory_space<vmem>>, vector<16xi32>,
      %broadcast_in_dim3A_43 = vector.broadcast %mul3A_35 : i32 to vector<16xi32>
      %swap3A_44 = arith.constant 32 : index
      %swap3A_45 = tpu.vector_load %arg6[%swap3A_44] {strides = array<i32>} : memref<64xi32, #tpu.memory_space<vmem>>, vector<16xi32>,
      tpu.vector_store %arg6[%swap3A_44], %broadcast_in_dim3A_43 {strides = array<i32>} : memref<64xi32, #tpu.memory_space<vmem>>, vector<16xi32>,
      %broadcast_in_dim3A_46 = vector.broadcast %mul3A_35 : i32 to vector<16xi32>
      %swap3A_47 = arith.constant 48 : index
      %swap3A_48 = tpu.vector_load %arg6[%swap3A_47] {strides = array<i32>} : memref<64xi32, #tpu.memory_space<vmem>>, vector<16xi32>,
      tpu.vector_store %arg6[%swap3A_47], %broadcast_in_dim3A_46 {strides = array<i32>} : memref<64xi32, #tpu.memory_space<vmem>>, vector<16xi32>,
      %get3A = arith.constant 0 : index
      %get3A_49 = tpu.vector_load %arg5[%get3A] {strides = array<i32>} : memref<512xf32, #tpu.memory_space<vmem>>, vector<16xf32>,
      %get3A_50 = arith.constant 16 : index
      %get3A_51 = tpu.vector_load %arg5[%get3A_50] {strides = array<i32>} : memref<512xf32, #tpu.memory_space<vmem>>, vector<16xf32>,
      %get3A_52 = arith.constant 32 : index
      %get3A_53 = tpu.vector_load %arg5[%get3A_52] {strides = array<i32>} : memref<512xf32, #tpu.memory_space<vmem>>, vector<16xf32>,
      %get3A_54 = arith.constant 48 : index
      %get3A_55 = tpu.vector_load %arg5[%get3A_54] {strides = array<i32>} : memref<512xf32, #tpu.memory_space<vmem>>, vector<16xf32>,
      %get3A_56 = arith.constant 64 : index
      %get3A_57 = tpu.vector_load %arg5[%get3A_56] {strides = array<i32>} : memref<512xf32, #tpu.memory_space<vmem>>, vector<16xf32>,
      %get3A_58 = arith.constant 80 : index
      %get3A_59 = tpu.vector_load %arg5[%get3A_58] {strides = array<i32>} : memref<512xf32, #tpu.memory_space<vmem>>, vector<16xf32>,
      %get3A_60 = arith.constant 96 : index
      %get3A_61 = tpu.vector_load %arg5[%get3A_60] {strides = array<i32>} : memref<512xf32, #tpu.memory_space<vmem>>, vector<16xf32>,
      %get3A_62 = arith.constant 112 : index
      %get3A_63 = tpu.vector_load %arg5[%get3A_62] {strides = array<i32>} : memref<512xf32, #tpu.memory_space<vmem>>, vector<16xf32>,
      %get3A_64 = arith.constant 128 : index
      %get3A_65 = tpu.vector_load %arg5[%get3A_64] {strides = array<i32>} : memref<512xf32, #tpu.memory_space<vmem>>, vector<16xf32>,
      %get3A_66 = arith.constant 144 : index
      %get3A_67 = tpu.vector_load %arg5[%get3A_66] {strides = array<i32>} : memref<512xf32, #tpu.memory_space<vmem>>, vector<16xf32>,
      %get3A_68 = arith.constant 160 : index
      %get3A_69 = tpu.vector_load %arg5[%get3A_68] {strides = array<i32>} : memref<512xf32, #tpu.memory_space<vmem>>, vector<16xf32>,
      %get3A_70 = arith.constant 176 : index
      %get3A_71 = tpu.vector_load %arg5[%get3A_70] {strides = array<i32>} : memref<512xf32, #tpu.memory_space<vmem>>, vector<16xf32>,
      %get3A_72 = arith.constant 192 : index
      %get3A_73 = tpu.vector_load %arg5[%get3A_72] {strides = array<i32>} : memref<512xf32, #tpu.memory_space<vmem>>, vector<16xf32>,
      %get3A_74 = arith.constant 208 : index
      %get3A_75 = tpu.vector_load %arg5[%get3A_74] {strides = array<i32>} : memref<512xf32, #tpu.memory_space<vmem>>, vector<16xf32>,
      %get3A_76 = arith.constant 224 : index
      %get3A_77 = tpu.vector_load %arg5[%get3A_76] {strides = array<i32>} : memref<512xf32, #tpu.memory_space<vmem>>, vector<16xf32>,
      %get3A_78 = arith.constant 240 : index
      %get3A_79 = tpu.vector_load %arg5[%get3A_78] {strides = array<i32>} : memref<512xf32, #tpu.memory_space<vmem>>, vector<16xf32>,
      %get3A_80 = arith.constant 256 : index
      %get3A_81 = tpu.vector_load %arg5[%get3A_80] {strides = array<i32>} : memref<512xf32, #tpu.memory_space<vmem>>, vector<16xf32>,
      %get3A_82 = arith.constant 272 : index
      %get3A_83 = tpu.vector_load %arg5[%get3A_82] {strides = array<i32>} : memref<512xf32, #tpu.memory_space<vmem>>, vector<16xf32>,
      %get3A_84 = arith.constant 288 : index
      %get3A_85 = tpu.vector_load %arg5[%get3A_84] {strides = array<i32>} : memref<512xf32, #tpu.memory_space<vmem>>, vector<16xf32>,
      %get3A_86 = arith.constant 304 : index
      %get3A_87 = tpu.vector_load %arg5[%get3A_86] {strides = array<i32>} : memref<512xf32, #tpu.memory_space<vmem>>, vector<16xf32>,
      %get3A_88 = arith.constant 320 : index
      %get3A_89 = tpu.vector_load %arg5[%get3A_88] {strides = array<i32>} : memref<512xf32, #tpu.memory_space<vmem>>, vector<16xf32>,
      %get3A_90 = arith.constant 336 : index
      %get3A_91 = tpu.vector_load %arg5[%get3A_90] {strides = array<i32>} : memref<512xf32, #tpu.memory_space<vmem>>, vector<16xf32>,
      %get3A_92 = arith.constant 352 : index
      %get3A_93 = tpu.vector_load %arg5[%get3A_92] {strides = array<i32>} : memref<512xf32, #tpu.memory_space<vmem>>, vector<16xf32>,
      %get3A_94 = arith.constant 368 : index
      %get3A_95 = tpu.vector_load %arg5[%get3A_94] {strides = array<i32>} : memref<512xf32, #tpu.memory_space<vmem>>, vector<16xf32>,
      %get3A_96 = arith.constant 384 : index
      %get3A_97 = tpu.vector_load %arg5[%get3A_96] {strides = array<i32>} : memref<512xf32, #tpu.memory_space<vmem>>, vector<16xf32>,
      %get3A_98 = arith.constant 400 : index
      %get3A_99 = tpu.vector_load %arg5[%get3A_98] {strides = array<i32>} : memref<512xf32, #tpu.memory_space<vmem>>, vector<16xf32>,
      %get3A_100 = arith.constant 416 : index
      %get3A_101 = tpu.vector_load %arg5[%get3A_100] {strides = array<i32>} : memref<512xf32, #tpu.memory_space<vmem>>, vector<16xf32>,
      %get3A_102 = arith.constant 432 : index
      %get3A_103 = tpu.vector_load %arg5[%get3A_102] {strides = array<i32>} : memref<512xf32, #tpu.memory_space<vmem>>, vector<16xf32>,
      %get3A_104 = arith.constant 448 : index
      %get3A_105 = tpu.vector_load %arg5[%get3A_104] {strides = array<i32>} : memref<512xf32, #tpu.memory_space<vmem>>, vector<16xf32>,
      %get3A_106 = arith.constant 464 : index
      %get3A_107 = tpu.vector_load %arg5[%get3A_106] {strides = array<i32>} : memref<512xf32, #tpu.memory_space<vmem>>, vector<16xf32>,
      %get3A_108 = arith.constant 480 : index
      %get3A_109 = tpu.vector_load %arg5[%get3A_108] {strides = array<i32>} : memref<512xf32, #tpu.memory_space<vmem>>, vector<16xf32>,
      %get3A_110 = arith.constant 496 : index
      %get3A_111 = tpu.vector_load %arg5[%get3A_110] {strides = array<i32>} : memref<512xf32, #tpu.memory_space<vmem>>, vector<16xf32>,
      %scan3A = arith.constant 0 : i32
      %scan3A_112 = arith.constant 52 : i32
      %scan3A_113 = arith.addi %scan3A, %scan3A_112 : i32
      %scan3A_114 = arith.constant 1 : i32
      %scan3A_115:32 = scf.for %scan3A_121 = %scan3A to %scan3A_113 step %scan3A_114 iter_args(%scan3A_122 = %get3A_49, %scan3A_123 = %get3A_51, %scan3A_124 = %get3A_53, %scan3A_125 = %get3A_55, %scan3A_126 = %get3A_57, %scan3A_127 = %get3A_59, %scan3A_128 = %get3A_61, %scan3A_129 = %get3A_63, %scan3A_130 = %get3A_65, %scan3A_131 = %get3A_67, %scan3A_132 = %get3A_69, %scan3A_133 = %get3A_71, %scan3A_134 = %get3A_73, %scan3A_135 = %get3A_75, %scan3A_136 = %get3A_77, %scan3A_137 = %get3A_79, %scan3A_138 = %get3A_81, %scan3A_139 = %get3A_83, %scan3A_140 = %get3A_85, %scan3A_141 = %get3A_87, %scan3A_142 = %get3A_89, %scan3A_143 = %get3A_91, %scan3A_144 = %get3A_93, %scan3A_145 = %get3A_95, %scan3A_146 = %get3A_97, %scan3A_147 = %get3A_99, %scan3A_148 = %get3A_101, %scan3A_149 = %get3A_103, %scan3A_150 = %get3A_105, %scan3A_151 = %get3A_107, %scan3A_152 = %get3A_109, %scan3A_153 = %get3A_111) -> (vector<16xf32>, vector<16xf32>, vector<16xf32>, vector<16xf32>, vector<16xf32>, vector<16xf32>, vector<16xf32>, vector<16xf32>, vector<16xf32>, vector<16xf32>, vector<16xf32>, vector<16xf32>, vector<16xf32>, vector<16xf32>, vector<16xf32>, vector<16xf32>, vector<16xf32>, vector<16xf32>, vector<16xf32>, vector<16xf32>, vector<16xf32>, vector<16xf32>, vector<16xf32>, vector<16xf32>, vector<16xf32>, vector<16xf32>, vector<16xf32>, vector<16xf32>, vector<16xf32>, vector<16xf32>, vector<16xf32>, vector<16xf32>)  : i32 {
        %max3A = arith.maximumf %scan3A_122, %scan3A_123 : vector<16xf32>
        %max3A_154 = arith.maximumf %max3A, %scan3A_124 : vector<16xf32>
        %max3A_155 = arith.maximumf %max3A_154, %scan3A_125 : vector<16xf32>
        %max3A_156 = arith.maximumf %max3A_155, %scan3A_126 : vector<16xf32>
        %max3A_157 = arith.maximumf %max3A_156, %scan3A_127 : vector<16xf32>
        %max3A_158 = arith.maximumf %max3A_157, %scan3A_128 : vector<16xf32>
        %max3A_159 = arith.maximumf %max3A_158, %scan3A_129 : vector<16xf32>
        %max3A_160 = arith.maximumf %max3A_159, %scan3A_130 : vector<16xf32>
        %max3A_161 = arith.maximumf %max3A_160, %scan3A_131 : vector<16xf32>
        %max3A_162 = arith.maximumf %max3A_161, %scan3A_132 : vector<16xf32>
        %max3A_163 = arith.maximumf %max3A_162, %scan3A_133 : vector<16xf32>
        %max3A_164 = arith.maximumf %max3A_163, %scan3A_134 : vector<16xf32>
        %max3A_165 = arith.maximumf %max3A_164, %scan3A_135 : vector<16xf32>
        %max3A_166 = arith.maximumf %max3A_165, %scan3A_136 : vector<16xf32>
        %max3A_167 = arith.maximumf %max3A_166, %scan3A_137 : vector<16xf32>
        %max3A_168 = arith.maximumf %max3A_167, %scan3A_138 : vector<16xf32>
        %max3A_169 = arith.maximumf %max3A_168, %scan3A_139 : vector<16xf32>
        %max3A_170 = arith.maximumf %max3A_169, %scan3A_140 : vector<16xf32>
        %max3A_171 = arith.maximumf %max3A_170, %scan3A_141 : vector<16xf32>
        %max3A_172 = arith.maximumf %max3A_171, %scan3A_142 : vector<16xf32>
        %max3A_173 = arith.maximumf %max3A_172, %scan3A_143 : vector<16xf32>
        %max3A_174 = arith.maximumf %max3A_173, %scan3A_144 : vector<16xf32>
        %max3A_175 = arith.maximumf %max3A_174, %scan3A_145 : vector<16xf32>
        %max3A_176 = arith.maximumf %max3A_175, %scan3A_146 : vector<16xf32>
        %max3A_177 = arith.maximumf %max3A_176, %scan3A_147 : vector<16xf32>
        %max3A_178 = arith.maximumf %max3A_177, %scan3A_148 : vector<16xf32>
        %max3A_179 = arith.maximumf %max3A_178, %scan3A_149 : vector<16xf32>
        %max3A_180 = arith.maximumf %max3A_179, %scan3A_150 : vector<16xf32>
        %max3A_181 = arith.maximumf %max3A_180, %scan3A_151 : vector<16xf32>
        %max3A_182 = arith.maximumf %max3A_181, %scan3A_152 : vector<16xf32>
        %max3A_183 = arith.maximumf %max3A_182, %scan3A_153 : vector<16xf32>
        %reduce_max3A = arith.constant true
        %reduce_max3A_184 = vector.broadcast %reduce_max3A : i1 to vector<16xi1>
        %reduce_max3A_185 = tpu.scan <max>, %max3A_183 masked %reduce_max3A_184 : vector<16xf32>, vector<16xi1> -> vector<16xf32>
        %reduce_max3A_186 = vector.extract %reduce_max3A_185[15] : f32 from vector<16xf32>
        %broadcast_in_dim3A_187 = arith.constant 1073741824 : i32
        %broadcast_in_dim3A_188 = vector.broadcast %broadcast_in_dim3A_187 : i32 to vector<16xi32>
        %eq3A_189 = vector.broadcast %reduce_max3A_186 : f32 to vector<16xf32>
        %eq3A_190 = arith.cmpf oeq, %scan3A_122, %eq3A_189 : vector<16xf32>
        %add3A_191 = arith.constant 0 : i32
        %add3A_192 = vector.broadcast %add3A_191 : i32 to vector<16xi32>
        %add3A_193 = arith.addi %iota3A, %add3A_192 : vector<16xi32>
        %select_n3A_194 = arith.select %eq3A_190, %add3A_193, %broadcast_in_dim3A_188 : vector<16xi1>, vector<16xi32>
        %min3A = arith.minsi %broadcast_in_dim3A_188, %select_n3A_194 : vector<16xi32>
        %eq3A_195 = vector.broadcast %reduce_max3A_186 : f32 to vector<16xf32>
        %eq3A_196 = arith.cmpf oeq, %scan3A_123, %eq3A_195 : vector<16xf32>
        %add3A_197 = arith.constant 16 : i32
        %add3A_198 = vector.broadcast %add3A_197 : i32 to vector<16xi32>
        %add3A_199 = arith.addi %iota3A, %add3A_198 : vector<16xi32>
        %select_n3A_200 = arith.select %eq3A_196, %add3A_199, %broadcast_in_dim3A_188 : vector<16xi1>, vector<16xi32>
        %min3A_201 = arith.minsi %min3A, %select_n3A_200 : vector<16xi32>
        %eq3A_202 = vector.broadcast %reduce_max3A_186 : f32 to vector<16xf32>
        %eq3A_203 = arith.cmpf oeq, %scan3A_124, %eq3A_202 : vector<16xf32>
        %add3A_204 = arith.constant 32 : i32
        %add3A_205 = vector.broadcast %add3A_204 : i32 to vector<16xi32>
        %add3A_206 = arith.addi %iota3A, %add3A_205 : vector<16xi32>
        %select_n3A_207 = arith.select %eq3A_203, %add3A_206, %broadcast_in_dim3A_188 : vector<16xi1>, vector<16xi32>
        %min3A_208 = arith.minsi %min3A_201, %select_n3A_207 : vector<16xi32>
        %eq3A_209 = vector.broadcast %reduce_max3A_186 : f32 to vector<16xf32>
        %eq3A_210 = arith.cmpf oeq, %scan3A_125, %eq3A_209 : vector<16xf32>
        %add3A_211 = arith.constant 48 : i32
        %add3A_212 = vector.broadcast %add3A_211 : i32 to vector<16xi32>
        %add3A_213 = arith.addi %iota3A, %add3A_212 : vector<16xi32>
        %select_n3A_214 = arith.select %eq3A_210, %add3A_213, %broadcast_in_dim3A_188 : vector<16xi1>, vector<16xi32>
        %min3A_215 = arith.minsi %min3A_208, %select_n3A_214 : vector<16xi32>
        %eq3A_216 = vector.broadcast %reduce_max3A_186 : f32 to vector<16xf32>
        %eq3A_217 = arith.cmpf oeq, %scan3A_126, %eq3A_216 : vector<16xf32>
        %add3A_218 = arith.constant 64 : i32
        %add3A_219 = vector.broadcast %add3A_218 : i32 to vector<16xi32>
        %add3A_220 = arith.addi %iota3A, %add3A_219 : vector<16xi32>
        %select_n3A_221 = arith.select %eq3A_217, %add3A_220, %broadcast_in_dim3A_188 : vector<16xi1>, vector<16xi32>
        %min3A_222 = arith.minsi %min3A_215, %select_n3A_221 : vector<16xi32>
        %eq3A_223 = vector.broadcast %reduce_max3A_186 : f32 to vector<16xf32>
        %eq3A_224 = arith.cmpf oeq, %scan3A_127, %eq3A_223 : vector<16xf32>
        %add3A_225 = arith.constant 80 : i32
        %add3A_226 = vector.broadcast %add3A_225 : i32 to vector<16xi32>
        %add3A_227 = arith.addi %iota3A, %add3A_226 : vector<16xi32>
        %select_n3A_228 = arith.select %eq3A_224, %add3A_227, %broadcast_in_dim3A_188 : vector<16xi1>, vector<16xi32>
        %min3A_229 = arith.minsi %min3A_222, %select_n3A_228 : vector<16xi32>
        %eq3A_230 = vector.broadcast %reduce_max3A_186 : f32 to vector<16xf32>
        %eq3A_231 = arith.cmpf oeq, %scan3A_128, %eq3A_230 : vector<16xf32>
        %add3A_232 = arith.constant 96 : i32
        %add3A_233 = vector.broadcast %add3A_232 : i32 to vector<16xi32>
        %add3A_234 = arith.addi %iota3A, %add3A_233 : vector<16xi32>
        %select_n3A_235 = arith.select %eq3A_231, %add3A_234, %broadcast_in_dim3A_188 : vector<16xi1>, vector<16xi32>
        %min3A_236 = arith.minsi %min3A_229, %select_n3A_235 : vector<16xi32>
        %eq3A_237 = vector.broadcast %reduce_max3A_186 : f32 to vector<16xf32>
        %eq3A_238 = arith.cmpf oeq, %scan3A_129, %eq3A_237 : vector<16xf32>
        %add3A_239 = arith.constant 112 : i32
        %add3A_240 = vector.broadcast %add3A_239 : i32 to vector<16xi32>
        %add3A_241 = arith.addi %iota3A, %add3A_240 : vector<16xi32>
        %select_n3A_242 = arith.select %eq3A_238, %add3A_241, %broadcast_in_dim3A_188 : vector<16xi1>, vector<16xi32>
        %min3A_243 = arith.minsi %min3A_236, %select_n3A_242 : vector<16xi32>
        %eq3A_244 = vector.broadcast %reduce_max3A_186 : f32 to vector<16xf32>
        %eq3A_245 = arith.cmpf oeq, %scan3A_130, %eq3A_244 : vector<16xf32>
        %add3A_246 = arith.constant 128 : i32
        %add3A_247 = vector.broadcast %add3A_246 : i32 to vector<16xi32>
        %add3A_248 = arith.addi %iota3A, %add3A_247 : vector<16xi32>
        %select_n3A_249 = arith.select %eq3A_245, %add3A_248, %broadcast_in_dim3A_188 : vector<16xi1>, vector<16xi32>
        %min3A_250 = arith.minsi %min3A_243, %select_n3A_249 : vector<16xi32>
        %eq3A_251 = vector.broadcast %reduce_max3A_186 : f32 to vector<16xf32>
        %eq3A_252 = arith.cmpf oeq, %scan3A_131, %eq3A_251 : vector<16xf32>
        %add3A_253 = arith.constant 144 : i32
        %add3A_254 = vector.broadcast %add3A_253 : i32 to vector<16xi32>
        %add3A_255 = arith.addi %iota3A, %add3A_254 : vector<16xi32>
        %select_n3A_256 = arith.select %eq3A_252, %add3A_255, %broadcast_in_dim3A_188 : vector<16xi1>, vector<16xi32>
        %min3A_257 = arith.minsi %min3A_250, %select_n3A_256 : vector<16xi32>
        %eq3A_258 = vector.broadcast %reduce_max3A_186 : f32 to vector<16xf32>
        %eq3A_259 = arith.cmpf oeq, %scan3A_132, %eq3A_258 : vector<16xf32>
        %add3A_260 = arith.constant 160 : i32
        %add3A_261 = vector.broadcast %add3A_260 : i32 to vector<16xi32>
        %add3A_262 = arith.addi %iota3A, %add3A_261 : vector<16xi32>
        %select_n3A_263 = arith.select %eq3A_259, %add3A_262, %broadcast_in_dim3A_188 : vector<16xi1>, vector<16xi32>
        %min3A_264 = arith.minsi %min3A_257, %select_n3A_263 : vector<16xi32>
        %eq3A_265 = vector.broadcast %reduce_max3A_186 : f32 to vector<16xf32>
        %eq3A_266 = arith.cmpf oeq, %scan3A_133, %eq3A_265 : vector<16xf32>
        %add3A_267 = arith.constant 176 : i32
        %add3A_268 = vector.broadcast %add3A_267 : i32 to vector<16xi32>
        %add3A_269 = arith.addi %iota3A, %add3A_268 : vector<16xi32>
        %select_n3A_270 = arith.select %eq3A_266, %add3A_269, %broadcast_in_dim3A_188 : vector<16xi1>, vector<16xi32>
        %min3A_271 = arith.minsi %min3A_264, %select_n3A_270 : vector<16xi32>
        %eq3A_272 = vector.broadcast %reduce_max3A_186 : f32 to vector<16xf32>
        %eq3A_273 = arith.cmpf oeq, %scan3A_134, %eq3A_272 : vector<16xf32>
        %add3A_274 = arith.constant 192 : i32
        %add3A_275 = vector.broadcast %add3A_274 : i32 to vector<16xi32>
        %add3A_276 = arith.addi %iota3A, %add3A_275 : vector<16xi32>
        %select_n3A_277 = arith.select %eq3A_273, %add3A_276, %broadcast_in_dim3A_188 : vector<16xi1>, vector<16xi32>
        %min3A_278 = arith.minsi %min3A_271, %select_n3A_277 : vector<16xi32>
        %eq3A_279 = vector.broadcast %reduce_max3A_186 : f32 to vector<16xf32>
        %eq3A_280 = arith.cmpf oeq, %scan3A_135, %eq3A_279 : vector<16xf32>
        %add3A_281 = arith.constant 208 : i32
        %add3A_282 = vector.broadcast %add3A_281 : i32 to vector<16xi32>
        %add3A_283 = arith.addi %iota3A, %add3A_282 : vector<16xi32>
        %select_n3A_284 = arith.select %eq3A_280, %add3A_283, %broadcast_in_dim3A_188 : vector<16xi1>, vector<16xi32>
        %min3A_285 = arith.minsi %min3A_278, %select_n3A_284 : vector<16xi32>
        %eq3A_286 = vector.broadcast %reduce_max3A_186 : f32 to vector<16xf32>
        %eq3A_287 = arith.cmpf oeq, %scan3A_136, %eq3A_286 : vector<16xf32>
        %add3A_288 = arith.constant 224 : i32
        %add3A_289 = vector.broadcast %add3A_288 : i32 to vector<16xi32>
        %add3A_290 = arith.addi %iota3A, %add3A_289 : vector<16xi32>
        %select_n3A_291 = arith.select %eq3A_287, %add3A_290, %broadcast_in_dim3A_188 : vector<16xi1>, vector<16xi32>
        %min3A_292 = arith.minsi %min3A_285, %select_n3A_291 : vector<16xi32>
        %eq3A_293 = vector.broadcast %reduce_max3A_186 : f32 to vector<16xf32>
        %eq3A_294 = arith.cmpf oeq, %scan3A_137, %eq3A_293 : vector<16xf32>
        %add3A_295 = arith.constant 240 : i32
        %add3A_296 = vector.broadcast %add3A_295 : i32 to vector<16xi32>
        %add3A_297 = arith.addi %iota3A, %add3A_296 : vector<16xi32>
        %select_n3A_298 = arith.select %eq3A_294, %add3A_297, %broadcast_in_dim3A_188 : vector<16xi1>, vector<16xi32>
        %min3A_299 = arith.minsi %min3A_292, %select_n3A_298 : vector<16xi32>
        %eq3A_300 = vector.broadcast %reduce_max3A_186 : f32 to vector<16xf32>
        %eq3A_301 = arith.cmpf oeq, %scan3A_138, %eq3A_300 : vector<16xf32>
        %add3A_302 = arith.constant 256 : i32
        %add3A_303 = vector.broadcast %add3A_302 : i32 to vector<16xi32>
        %add3A_304 = arith.addi %iota3A, %add3A_303 : vector<16xi32>
        %select_n3A_305 = arith.select %eq3A_301, %add3A_304, %broadcast_in_dim3A_188 : vector<16xi1>, vector<16xi32>
        %min3A_306 = arith.minsi %min3A_299, %select_n3A_305 : vector<16xi32>
        %eq3A_307 = vector.broadcast %reduce_max3A_186 : f32 to vector<16xf32>
        %eq3A_308 = arith.cmpf oeq, %scan3A_139, %eq3A_307 : vector<16xf32>
        %add3A_309 = arith.constant 272 : i32
        %add3A_310 = vector.broadcast %add3A_309 : i32 to vector<16xi32>
        %add3A_311 = arith.addi %iota3A, %add3A_310 : vector<16xi32>
        %select_n3A_312 = arith.select %eq3A_308, %add3A_311, %broadcast_in_dim3A_188 : vector<16xi1>, vector<16xi32>
        %min3A_313 = arith.minsi %min3A_306, %select_n3A_312 : vector<16xi32>
        %eq3A_314 = vector.broadcast %reduce_max3A_186 : f32 to vector<16xf32>
        %eq3A_315 = arith.cmpf oeq, %scan3A_140, %eq3A_314 : vector<16xf32>
        %add3A_316 = arith.constant 288 : i32
        %add3A_317 = vector.broadcast %add3A_316 : i32 to vector<16xi32>
        %add3A_318 = arith.addi %iota3A, %add3A_317 : vector<16xi32>
        %select_n3A_319 = arith.select %eq3A_315, %add3A_318, %broadcast_in_dim3A_188 : vector<16xi1>, vector<16xi32>
        %min3A_320 = arith.minsi %min3A_313, %select_n3A_319 : vector<16xi32>
        %eq3A_321 = vector.broadcast %reduce_max3A_186 : f32 to vector<16xf32>
        %eq3A_322 = arith.cmpf oeq, %scan3A_141, %eq3A_321 : vector<16xf32>
        %add3A_323 = arith.constant 304 : i32
        %add3A_324 = vector.broadcast %add3A_323 : i32 to vector<16xi32>
        %add3A_325 = arith.addi %iota3A, %add3A_324 : vector<16xi32>
        %select_n3A_326 = arith.select %eq3A_322, %add3A_325, %broadcast_in_dim3A_188 : vector<16xi1>, vector<16xi32>
        %min3A_327 = arith.minsi %min3A_320, %select_n3A_326 : vector<16xi32>
        %eq3A_328 = vector.broadcast %reduce_max3A_186 : f32 to vector<16xf32>
        %eq3A_329 = arith.cmpf oeq, %scan3A_142, %eq3A_328 : vector<16xf32>
        %add3A_330 = arith.constant 320 : i32
        %add3A_331 = vector.broadcast %add3A_330 : i32 to vector<16xi32>
        %add3A_332 = arith.addi %iota3A, %add3A_331 : vector<16xi32>
        %select_n3A_333 = arith.select %eq3A_329, %add3A_332, %broadcast_in_dim3A_188 : vector<16xi1>, vector<16xi32>
        %min3A_334 = arith.minsi %min3A_327, %select_n3A_333 : vector<16xi32>
        %eq3A_335 = vector.broadcast %reduce_max3A_186 : f32 to vector<16xf32>
        %eq3A_336 = arith.cmpf oeq, %scan3A_143, %eq3A_335 : vector<16xf32>
        %add3A_337 = arith.constant 336 : i32
        %add3A_338 = vector.broadcast %add3A_337 : i32 to vector<16xi32>
        %add3A_339 = arith.addi %iota3A, %add3A_338 : vector<16xi32>
        %select_n3A_340 = arith.select %eq3A_336, %add3A_339, %broadcast_in_dim3A_188 : vector<16xi1>, vector<16xi32>
        %min3A_341 = arith.minsi %min3A_334, %select_n3A_340 : vector<16xi32>
        %eq3A_342 = vector.broadcast %reduce_max3A_186 : f32 to vector<16xf32>
        %eq3A_343 = arith.cmpf oeq, %scan3A_144, %eq3A_342 : vector<16xf32>
        %add3A_344 = arith.constant 352 : i32
        %add3A_345 = vector.broadcast %add3A_344 : i32 to vector<16xi32>
        %add3A_346 = arith.addi %iota3A, %add3A_345 : vector<16xi32>
        %select_n3A_347 = arith.select %eq3A_343, %add3A_346, %broadcast_in_dim3A_188 : vector<16xi1>, vector<16xi32>
        %min3A_348 = arith.minsi %min3A_341, %select_n3A_347 : vector<16xi32>
        %eq3A_349 = vector.broadcast %reduce_max3A_186 : f32 to vector<16xf32>
        %eq3A_350 = arith.cmpf oeq, %scan3A_145, %eq3A_349 : vector<16xf32>
        %add3A_351 = arith.constant 368 : i32
        %add3A_352 = vector.broadcast %add3A_351 : i32 to vector<16xi32>
        %add3A_353 = arith.addi %iota3A, %add3A_352 : vector<16xi32>
        %select_n3A_354 = arith.select %eq3A_350, %add3A_353, %broadcast_in_dim3A_188 : vector<16xi1>, vector<16xi32>
        %min3A_355 = arith.minsi %min3A_348, %select_n3A_354 : vector<16xi32>
        %eq3A_356 = vector.broadcast %reduce_max3A_186 : f32 to vector<16xf32>
        %eq3A_357 = arith.cmpf oeq, %scan3A_146, %eq3A_356 : vector<16xf32>
        %add3A_358 = arith.constant 384 : i32
        %add3A_359 = vector.broadcast %add3A_358 : i32 to vector<16xi32>
        %add3A_360 = arith.addi %iota3A, %add3A_359 : vector<16xi32>
        %select_n3A_361 = arith.select %eq3A_357, %add3A_360, %broadcast_in_dim3A_188 : vector<16xi1>, vector<16xi32>
        %min3A_362 = arith.minsi %min3A_355, %select_n3A_361 : vector<16xi32>
        %eq3A_363 = vector.broadcast %reduce_max3A_186 : f32 to vector<16xf32>
        %eq3A_364 = arith.cmpf oeq, %scan3A_147, %eq3A_363 : vector<16xf32>
        %add3A_365 = arith.constant 400 : i32
        %add3A_366 = vector.broadcast %add3A_365 : i32 to vector<16xi32>
        %add3A_367 = arith.addi %iota3A, %add3A_366 : vector<16xi32>
        %select_n3A_368 = arith.select %eq3A_364, %add3A_367, %broadcast_in_dim3A_188 : vector<16xi1>, vector<16xi32>
        %min3A_369 = arith.minsi %min3A_362, %select_n3A_368 : vector<16xi32>
        %eq3A_370 = vector.broadcast %reduce_max3A_186 : f32 to vector<16xf32>
        %eq3A_371 = arith.cmpf oeq, %scan3A_148, %eq3A_370 : vector<16xf32>
        %add3A_372 = arith.constant 416 : i32
        %add3A_373 = vector.broadcast %add3A_372 : i32 to vector<16xi32>
        %add3A_374 = arith.addi %iota3A, %add3A_373 : vector<16xi32>
        %select_n3A_375 = arith.select %eq3A_371, %add3A_374, %broadcast_in_dim3A_188 : vector<16xi1>, vector<16xi32>
        %min3A_376 = arith.minsi %min3A_369, %select_n3A_375 : vector<16xi32>
        %eq3A_377 = vector.broadcast %reduce_max3A_186 : f32 to vector<16xf32>
        %eq3A_378 = arith.cmpf oeq, %scan3A_149, %eq3A_377 : vector<16xf32>
        %add3A_379 = arith.constant 432 : i32
        %add3A_380 = vector.broadcast %add3A_379 : i32 to vector<16xi32>
        %add3A_381 = arith.addi %iota3A, %add3A_380 : vector<16xi32>
        %select_n3A_382 = arith.select %eq3A_378, %add3A_381, %broadcast_in_dim3A_188 : vector<16xi1>, vector<16xi32>
        %min3A_383 = arith.minsi %min3A_376, %select_n3A_382 : vector<16xi32>
        %eq3A_384 = vector.broadcast %reduce_max3A_186 : f32 to vector<16xf32>
        %eq3A_385 = arith.cmpf oeq, %scan3A_150, %eq3A_384 : vector<16xf32>
        %add3A_386 = arith.constant 448 : i32
        %add3A_387 = vector.broadcast %add3A_386 : i32 to vector<16xi32>
        %add3A_388 = arith.addi %iota3A, %add3A_387 : vector<16xi32>
        %select_n3A_389 = arith.select %eq3A_385, %add3A_388, %broadcast_in_dim3A_188 : vector<16xi1>, vector<16xi32>
        %min3A_390 = arith.minsi %min3A_383, %select_n3A_389 : vector<16xi32>
        %eq3A_391 = vector.broadcast %reduce_max3A_186 : f32 to vector<16xf32>
        %eq3A_392 = arith.cmpf oeq, %scan3A_151, %eq3A_391 : vector<16xf32>
        %add3A_393 = arith.constant 464 : i32
        %add3A_394 = vector.broadcast %add3A_393 : i32 to vector<16xi32>
        %add3A_395 = arith.addi %iota3A, %add3A_394 : vector<16xi32>
        %select_n3A_396 = arith.select %eq3A_392, %add3A_395, %broadcast_in_dim3A_188 : vector<16xi1>, vector<16xi32>
        %min3A_397 = arith.minsi %min3A_390, %select_n3A_396 : vector<16xi32>
        %eq3A_398 = vector.broadcast %reduce_max3A_186 : f32 to vector<16xf32>
        %eq3A_399 = arith.cmpf oeq, %scan3A_152, %eq3A_398 : vector<16xf32>
        %add3A_400 = arith.constant 480 : i32
        %add3A_401 = vector.broadcast %add3A_400 : i32 to vector<16xi32>
        %add3A_402 = arith.addi %iota3A, %add3A_401 : vector<16xi32>
        %select_n3A_403 = arith.select %eq3A_399, %add3A_402, %broadcast_in_dim3A_188 : vector<16xi1>, vector<16xi32>
        %min3A_404 = arith.minsi %min3A_397, %select_n3A_403 : vector<16xi32>
        %eq3A_405 = vector.broadcast %reduce_max3A_186 : f32 to vector<16xf32>
        %eq3A_406 = arith.cmpf oeq, %scan3A_153, %eq3A_405 : vector<16xf32>
        %add3A_407 = arith.constant 496 : i32
        %add3A_408 = vector.broadcast %add3A_407 : i32 to vector<16xi32>
        %add3A_409 = arith.addi %iota3A, %add3A_408 : vector<16xi32>
        %select_n3A_410 = arith.select %eq3A_406, %add3A_409, %broadcast_in_dim3A_188 : vector<16xi1>, vector<16xi32>
        %min3A_411 = arith.minsi %min3A_404, %select_n3A_410 : vector<16xi32>
        %reduce_min3A = arith.constant true
        %reduce_min3A_412 = vector.broadcast %reduce_min3A : i1 to vector<16xi1>
        %reduce_min3A_413 = arith.constant -2147483648 : i32
        %reduce_min3A_414 = vector.broadcast %reduce_min3A_413 : i32 to vector<16xi32>
        %reduce_min3A_415 = arith.xori %min3A_411, %reduce_min3A_414 : vector<16xi32>
        %reduce_min3A_416 = tpu.scan <min>, %reduce_min3A_415 masked %reduce_min3A_412 : vector<16xi32>, vector<16xi1> -> vector<16xi32>
        %reduce_min3A_417 = arith.xori %reduce_min3A_416, %reduce_min3A_414 : vector<16xi32>
        %reduce_min3A_418 = vector.extract %reduce_min3A_417[15] : i32 from vector<16xi32>
        %broadcast_in_dim3A_419 = vector.broadcast %scan3A_121 : i32 to vector<16xi32>
        %broadcast_in_dim3A_420 = vector.broadcast %reduce_min3A_418 : i32 to vector<16xi32>
        %add3A_421 = vector.broadcast %mul3A_35 : i32 to vector<16xi32>
        %add3A_422 = arith.addi %broadcast_in_dim3A_420, %add3A_421 : vector<16xi32>
        tpu.vector_store_idx %arg6[%broadcast_in_dim3A_419], %add3A_422 masked %eq3A_38 : memref<64xi32, #tpu.memory_space<vmem>>[vector<16xi32>], vector<16xi32>, vector<16xi1>
        %add3A_423 = arith.constant 0 : i32
        %add3A_424 = vector.broadcast %add3A_423 : i32 to vector<16xi32>
        %add3A_425 = arith.addi %iota3A, %add3A_424 : vector<16xi32>
        %eq3A_426 = vector.broadcast %reduce_min3A_418 : i32 to vector<16xi32>
        %eq3A_427 = arith.cmpi eq, %add3A_425, %eq3A_426 : vector<16xi32>
        %jit3A_428 = arith.constant -3.40282306E+38 : f32
        %broadcast_in_dim3A_429 = vector.broadcast %jit3A_428 : f32 to vector<16xf32>
        %select_n3A_430 = arith.select %eq3A_427, %broadcast_in_dim3A_429, %scan3A_122 : vector<16xi1>, vector<16xf32>
        %add3A_431 = arith.constant 16 : i32
        %add3A_432 = vector.broadcast %add3A_431 : i32 to vector<16xi32>
        %add3A_433 = arith.addi %iota3A, %add3A_432 : vector<16xi32>
        %eq3A_434 = vector.broadcast %reduce_min3A_418 : i32 to vector<16xi32>
        %eq3A_435 = arith.cmpi eq, %add3A_433, %eq3A_434 : vector<16xi32>
        %jit3A_436 = arith.constant -3.40282306E+38 : f32
        %broadcast_in_dim3A_437 = vector.broadcast %jit3A_436 : f32 to vector<16xf32>
        %select_n3A_438 = arith.select %eq3A_435, %broadcast_in_dim3A_437, %scan3A_123 : vector<16xi1>, vector<16xf32>
        %add3A_439 = arith.constant 32 : i32
        %add3A_440 = vector.broadcast %add3A_439 : i32 to vector<16xi32>
        %add3A_441 = arith.addi %iota3A, %add3A_440 : vector<16xi32>
        %eq3A_442 = vector.broadcast %reduce_min3A_418 : i32 to vector<16xi32>
        %eq3A_443 = arith.cmpi eq, %add3A_441, %eq3A_442 : vector<16xi32>
        %jit3A_444 = arith.constant -3.40282306E+38 : f32
        %broadcast_in_dim3A_445 = vector.broadcast %jit3A_444 : f32 to vector<16xf32>
        %select_n3A_446 = arith.select %eq3A_443, %broadcast_in_dim3A_445, %scan3A_124 : vector<16xi1>, vector<16xf32>
        %add3A_447 = arith.constant 48 : i32
        %add3A_448 = vector.broadcast %add3A_447 : i32 to vector<16xi32>
        %add3A_449 = arith.addi %iota3A, %add3A_448 : vector<16xi32>
        %eq3A_450 = vector.broadcast %reduce_min3A_418 : i32 to vector<16xi32>
        %eq3A_451 = arith.cmpi eq, %add3A_449, %eq3A_450 : vector<16xi32>
        %jit3A_452 = arith.constant -3.40282306E+38 : f32
        %broadcast_in_dim3A_453 = vector.broadcast %jit3A_452 : f32 to vector<16xf32>
        %select_n3A_454 = arith.select %eq3A_451, %broadcast_in_dim3A_453, %scan3A_125 : vector<16xi1>, vector<16xf32>
        %add3A_455 = arith.constant 64 : i32
        %add3A_456 = vector.broadcast %add3A_455 : i32 to vector<16xi32>
        %add3A_457 = arith.addi %iota3A, %add3A_456 : vector<16xi32>
        %eq3A_458 = vector.broadcast %reduce_min3A_418 : i32 to vector<16xi32>
        %eq3A_459 = arith.cmpi eq, %add3A_457, %eq3A_458 : vector<16xi32>
        %jit3A_460 = arith.constant -3.40282306E+38 : f32
        %broadcast_in_dim3A_461 = vector.broadcast %jit3A_460 : f32 to vector<16xf32>
        %select_n3A_462 = arith.select %eq3A_459, %broadcast_in_dim3A_461, %scan3A_126 : vector<16xi1>, vector<16xf32>
        %add3A_463 = arith.constant 80 : i32
        %add3A_464 = vector.broadcast %add3A_463 : i32 to vector<16xi32>
        %add3A_465 = arith.addi %iota3A, %add3A_464 : vector<16xi32>
        %eq3A_466 = vector.broadcast %reduce_min3A_418 : i32 to vector<16xi32>
        %eq3A_467 = arith.cmpi eq, %add3A_465, %eq3A_466 : vector<16xi32>
        %jit3A_468 = arith.constant -3.40282306E+38 : f32
        %broadcast_in_dim3A_469 = vector.broadcast %jit3A_468 : f32 to vector<16xf32>
        %select_n3A_470 = arith.select %eq3A_467, %broadcast_in_dim3A_469, %scan3A_127 : vector<16xi1>, vector<16xf32>
        %add3A_471 = arith.constant 96 : i32
        %add3A_472 = vector.broadcast %add3A_471 : i32 to vector<16xi32>
        %add3A_473 = arith.addi %iota3A, %add3A_472 : vector<16xi32>
        %eq3A_474 = vector.broadcast %reduce_min3A_418 : i32 to vector<16xi32>
        %eq3A_475 = arith.cmpi eq, %add3A_473, %eq3A_474 : vector<16xi32>
        %jit3A_476 = arith.constant -3.40282306E+38 : f32
        %broadcast_in_dim3A_477 = vector.broadcast %jit3A_476 : f32 to vector<16xf32>
        %select_n3A_478 = arith.select %eq3A_475, %broadcast_in_dim3A_477, %scan3A_128 : vector<16xi1>, vector<16xf32>
        %add3A_479 = arith.constant 112 : i32
        %add3A_480 = vector.broadcast %add3A_479 : i32 to vector<16xi32>
        %add3A_481 = arith.addi %iota3A, %add3A_480 : vector<16xi32>
        %eq3A_482 = vector.broadcast %reduce_min3A_418 : i32 to vector<16xi32>
        %eq3A_483 = arith.cmpi eq, %add3A_481, %eq3A_482 : vector<16xi32>
        %jit3A_484 = arith.constant -3.40282306E+38 : f32
        %broadcast_in_dim3A_485 = vector.broadcast %jit3A_484 : f32 to vector<16xf32>
        %select_n3A_486 = arith.select %eq3A_483, %broadcast_in_dim3A_485, %scan3A_129 : vector<16xi1>, vector<16xf32>
        %add3A_487 = arith.constant 128 : i32
        %add3A_488 = vector.broadcast %add3A_487 : i32 to vector<16xi32>
        %add3A_489 = arith.addi %iota3A, %add3A_488 : vector<16xi32>
        %eq3A_490 = vector.broadcast %reduce_min3A_418 : i32 to vector<16xi32>
        %eq3A_491 = arith.cmpi eq, %add3A_489, %eq3A_490 : vector<16xi32>
        %jit3A_492 = arith.constant -3.40282306E+38 : f32
        %broadcast_in_dim3A_493 = vector.broadcast %jit3A_492 : f32 to vector<16xf32>
        %select_n3A_494 = arith.select %eq3A_491, %broadcast_in_dim3A_493, %scan3A_130 : vector<16xi1>, vector<16xf32>
        %add3A_495 = arith.constant 144 : i32
        %add3A_496 = vector.broadcast %add3A_495 : i32 to vector<16xi32>
        %add3A_497 = arith.addi %iota3A, %add3A_496 : vector<16xi32>
        %eq3A_498 = vector.broadcast %reduce_min3A_418 : i32 to vector<16xi32>
        %eq3A_499 = arith.cmpi eq, %add3A_497, %eq3A_498 : vector<16xi32>
        %jit3A_500 = arith.constant -3.40282306E+38 : f32
        %broadcast_in_dim3A_501 = vector.broadcast %jit3A_500 : f32 to vector<16xf32>
        %select_n3A_502 = arith.select %eq3A_499, %broadcast_in_dim3A_501, %scan3A_131 : vector<16xi1>, vector<16xf32>
        %add3A_503 = arith.constant 160 : i32
        %add3A_504 = vector.broadcast %add3A_503 : i32 to vector<16xi32>
        %add3A_505 = arith.addi %iota3A, %add3A_504 : vector<16xi32>
        %eq3A_506 = vector.broadcast %reduce_min3A_418 : i32 to vector<16xi32>
        %eq3A_507 = arith.cmpi eq, %add3A_505, %eq3A_506 : vector<16xi32>
        %jit3A_508 = arith.constant -3.40282306E+38 : f32
        %broadcast_in_dim3A_509 = vector.broadcast %jit3A_508 : f32 to vector<16xf32>
        %select_n3A_510 = arith.select %eq3A_507, %broadcast_in_dim3A_509, %scan3A_132 : vector<16xi1>, vector<16xf32>
        %add3A_511 = arith.constant 176 : i32
        %add3A_512 = vector.broadcast %add3A_511 : i32 to vector<16xi32>
        %add3A_513 = arith.addi %iota3A, %add3A_512 : vector<16xi32>
        %eq3A_514 = vector.broadcast %reduce_min3A_418 : i32 to vector<16xi32>
        %eq3A_515 = arith.cmpi eq, %add3A_513, %eq3A_514 : vector<16xi32>
        %jit3A_516 = arith.constant -3.40282306E+38 : f32
        %broadcast_in_dim3A_517 = vector.broadcast %jit3A_516 : f32 to vector<16xf32>
        %select_n3A_518 = arith.select %eq3A_515, %broadcast_in_dim3A_517, %scan3A_133 : vector<16xi1>, vector<16xf32>
        %add3A_519 = arith.constant 192 : i32
        %add3A_520 = vector.broadcast %add3A_519 : i32 to vector<16xi32>
        %add3A_521 = arith.addi %iota3A, %add3A_520 : vector<16xi32>
        %eq3A_522 = vector.broadcast %reduce_min3A_418 : i32 to vector<16xi32>
        %eq3A_523 = arith.cmpi eq, %add3A_521, %eq3A_522 : vector<16xi32>
        %jit3A_524 = arith.constant -3.40282306E+38 : f32
        %broadcast_in_dim3A_525 = vector.broadcast %jit3A_524 : f32 to vector<16xf32>
        %select_n3A_526 = arith.select %eq3A_523, %broadcast_in_dim3A_525, %scan3A_134 : vector<16xi1>, vector<16xf32>
        %add3A_527 = arith.constant 208 : i32
        %add3A_528 = vector.broadcast %add3A_527 : i32 to vector<16xi32>
        %add3A_529 = arith.addi %iota3A, %add3A_528 : vector<16xi32>
        %eq3A_530 = vector.broadcast %reduce_min3A_418 : i32 to vector<16xi32>
        %eq3A_531 = arith.cmpi eq, %add3A_529, %eq3A_530 : vector<16xi32>
        %jit3A_532 = arith.constant -3.40282306E+38 : f32
        %broadcast_in_dim3A_533 = vector.broadcast %jit3A_532 : f32 to vector<16xf32>
        %select_n3A_534 = arith.select %eq3A_531, %broadcast_in_dim3A_533, %scan3A_135 : vector<16xi1>, vector<16xf32>
        %add3A_535 = arith.constant 224 : i32
        %add3A_536 = vector.broadcast %add3A_535 : i32 to vector<16xi32>
        %add3A_537 = arith.addi %iota3A, %add3A_536 : vector<16xi32>
        %eq3A_538 = vector.broadcast %reduce_min3A_418 : i32 to vector<16xi32>
        %eq3A_539 = arith.cmpi eq, %add3A_537, %eq3A_538 : vector<16xi32>
        %jit3A_540 = arith.constant -3.40282306E+38 : f32
        %broadcast_in_dim3A_541 = vector.broadcast %jit3A_540 : f32 to vector<16xf32>
        %select_n3A_542 = arith.select %eq3A_539, %broadcast_in_dim3A_541, %scan3A_136 : vector<16xi1>, vector<16xf32>
        %add3A_543 = arith.constant 240 : i32
        %add3A_544 = vector.broadcast %add3A_543 : i32 to vector<16xi32>
        %add3A_545 = arith.addi %iota3A, %add3A_544 : vector<16xi32>
        %eq3A_546 = vector.broadcast %reduce_min3A_418 : i32 to vector<16xi32>
        %eq3A_547 = arith.cmpi eq, %add3A_545, %eq3A_546 : vector<16xi32>
        %jit3A_548 = arith.constant -3.40282306E+38 : f32
        %broadcast_in_dim3A_549 = vector.broadcast %jit3A_548 : f32 to vector<16xf32>
        %select_n3A_550 = arith.select %eq3A_547, %broadcast_in_dim3A_549, %scan3A_137 : vector<16xi1>, vector<16xf32>
        %add3A_551 = arith.constant 256 : i32
        %add3A_552 = vector.broadcast %add3A_551 : i32 to vector<16xi32>
        %add3A_553 = arith.addi %iota3A, %add3A_552 : vector<16xi32>
        %eq3A_554 = vector.broadcast %reduce_min3A_418 : i32 to vector<16xi32>
        %eq3A_555 = arith.cmpi eq, %add3A_553, %eq3A_554 : vector<16xi32>
        %jit3A_556 = arith.constant -3.40282306E+38 : f32
        %broadcast_in_dim3A_557 = vector.broadcast %jit3A_556 : f32 to vector<16xf32>
        %select_n3A_558 = arith.select %eq3A_555, %broadcast_in_dim3A_557, %scan3A_138 : vector<16xi1>, vector<16xf32>
        %add3A_559 = arith.constant 272 : i32
        %add3A_560 = vector.broadcast %add3A_559 : i32 to vector<16xi32>
        %add3A_561 = arith.addi %iota3A, %add3A_560 : vector<16xi32>
        %eq3A_562 = vector.broadcast %reduce_min3A_418 : i32 to vector<16xi32>
        %eq3A_563 = arith.cmpi eq, %add3A_561, %eq3A_562 : vector<16xi32>
        %jit3A_564 = arith.constant -3.40282306E+38 : f32
        %broadcast_in_dim3A_565 = vector.broadcast %jit3A_564 : f32 to vector<16xf32>
        %select_n3A_566 = arith.select %eq3A_563, %broadcast_in_dim3A_565, %scan3A_139 : vector<16xi1>, vector<16xf32>
        %add3A_567 = arith.constant 288 : i32
        %add3A_568 = vector.broadcast %add3A_567 : i32 to vector<16xi32>
        %add3A_569 = arith.addi %iota3A, %add3A_568 : vector<16xi32>
        %eq3A_570 = vector.broadcast %reduce_min3A_418 : i32 to vector<16xi32>
        %eq3A_571 = arith.cmpi eq, %add3A_569, %eq3A_570 : vector<16xi32>
        %jit3A_572 = arith.constant -3.40282306E+38 : f32
        %broadcast_in_dim3A_573 = vector.broadcast %jit3A_572 : f32 to vector<16xf32>
        %select_n3A_574 = arith.select %eq3A_571, %broadcast_in_dim3A_573, %scan3A_140 : vector<16xi1>, vector<16xf32>
        %add3A_575 = arith.constant 304 : i32
        %add3A_576 = vector.broadcast %add3A_575 : i32 to vector<16xi32>
        %add3A_577 = arith.addi %iota3A, %add3A_576 : vector<16xi32>
        %eq3A_578 = vector.broadcast %reduce_min3A_418 : i32 to vector<16xi32>
        %eq3A_579 = arith.cmpi eq, %add3A_577, %eq3A_578 : vector<16xi32>
        %jit3A_580 = arith.constant -3.40282306E+38 : f32
        %broadcast_in_dim3A_581 = vector.broadcast %jit3A_580 : f32 to vector<16xf32>
        %select_n3A_582 = arith.select %eq3A_579, %broadcast_in_dim3A_581, %scan3A_141 : vector<16xi1>, vector<16xf32>
        %add3A_583 = arith.constant 320 : i32
        %add3A_584 = vector.broadcast %add3A_583 : i32 to vector<16xi32>
        %add3A_585 = arith.addi %iota3A, %add3A_584 : vector<16xi32>
        %eq3A_586 = vector.broadcast %reduce_min3A_418 : i32 to vector<16xi32>
        %eq3A_587 = arith.cmpi eq, %add3A_585, %eq3A_586 : vector<16xi32>
        %jit3A_588 = arith.constant -3.40282306E+38 : f32
        %broadcast_in_dim3A_589 = vector.broadcast %jit3A_588 : f32 to vector<16xf32>
        %select_n3A_590 = arith.select %eq3A_587, %broadcast_in_dim3A_589, %scan3A_142 : vector<16xi1>, vector<16xf32>
        %add3A_591 = arith.constant 336 : i32
        %add3A_592 = vector.broadcast %add3A_591 : i32 to vector<16xi32>
        %add3A_593 = arith.addi %iota3A, %add3A_592 : vector<16xi32>
        %eq3A_594 = vector.broadcast %reduce_min3A_418 : i32 to vector<16xi32>
        %eq3A_595 = arith.cmpi eq, %add3A_593, %eq3A_594 : vector<16xi32>
        %jit3A_596 = arith.constant -3.40282306E+38 : f32
        %broadcast_in_dim3A_597 = vector.broadcast %jit3A_596 : f32 to vector<16xf32>
        %select_n3A_598 = arith.select %eq3A_595, %broadcast_in_dim3A_597, %scan3A_143 : vector<16xi1>, vector<16xf32>
        %add3A_599 = arith.constant 352 : i32
        %add3A_600 = vector.broadcast %add3A_599 : i32 to vector<16xi32>
        %add3A_601 = arith.addi %iota3A, %add3A_600 : vector<16xi32>
        %eq3A_602 = vector.broadcast %reduce_min3A_418 : i32 to vector<16xi32>
        %eq3A_603 = arith.cmpi eq, %add3A_601, %eq3A_602 : vector<16xi32>
        %jit3A_604 = arith.constant -3.40282306E+38 : f32
        %broadcast_in_dim3A_605 = vector.broadcast %jit3A_604 : f32 to vector<16xf32>
        %select_n3A_606 = arith.select %eq3A_603, %broadcast_in_dim3A_605, %scan3A_144 : vector<16xi1>, vector<16xf32>
        %add3A_607 = arith.constant 368 : i32
        %add3A_608 = vector.broadcast %add3A_607 : i32 to vector<16xi32>
        %add3A_609 = arith.addi %iota3A, %add3A_608 : vector<16xi32>
        %eq3A_610 = vector.broadcast %reduce_min3A_418 : i32 to vector<16xi32>
        %eq3A_611 = arith.cmpi eq, %add3A_609, %eq3A_610 : vector<16xi32>
        %jit3A_612 = arith.constant -3.40282306E+38 : f32
        %broadcast_in_dim3A_613 = vector.broadcast %jit3A_612 : f32 to vector<16xf32>
        %select_n3A_614 = arith.select %eq3A_611, %broadcast_in_dim3A_613, %scan3A_145 : vector<16xi1>, vector<16xf32>
        %add3A_615 = arith.constant 384 : i32
        %add3A_616 = vector.broadcast %add3A_615 : i32 to vector<16xi32>
        %add3A_617 = arith.addi %iota3A, %add3A_616 : vector<16xi32>
        %eq3A_618 = vector.broadcast %reduce_min3A_418 : i32 to vector<16xi32>
        %eq3A_619 = arith.cmpi eq, %add3A_617, %eq3A_618 : vector<16xi32>
        %jit3A_620 = arith.constant -3.40282306E+38 : f32
        %broadcast_in_dim3A_621 = vector.broadcast %jit3A_620 : f32 to vector<16xf32>
        %select_n3A_622 = arith.select %eq3A_619, %broadcast_in_dim3A_621, %scan3A_146 : vector<16xi1>, vector<16xf32>
        %add3A_623 = arith.constant 400 : i32
        %add3A_624 = vector.broadcast %add3A_623 : i32 to vector<16xi32>
        %add3A_625 = arith.addi %iota3A, %add3A_624 : vector<16xi32>
        %eq3A_626 = vector.broadcast %reduce_min3A_418 : i32 to vector<16xi32>
        %eq3A_627 = arith.cmpi eq, %add3A_625, %eq3A_626 : vector<16xi32>
        %jit3A_628 = arith.constant -3.40282306E+38 : f32
        %broadcast_in_dim3A_629 = vector.broadcast %jit3A_628 : f32 to vector<16xf32>
        %select_n3A_630 = arith.select %eq3A_627, %broadcast_in_dim3A_629, %scan3A_147 : vector<16xi1>, vector<16xf32>
        %add3A_631 = arith.constant 416 : i32
        %add3A_632 = vector.broadcast %add3A_631 : i32 to vector<16xi32>
        %add3A_633 = arith.addi %iota3A, %add3A_632 : vector<16xi32>
        %eq3A_634 = vector.broadcast %reduce_min3A_418 : i32 to vector<16xi32>
        %eq3A_635 = arith.cmpi eq, %add3A_633, %eq3A_634 : vector<16xi32>
        %jit3A_636 = arith.constant -3.40282306E+38 : f32
        %broadcast_in_dim3A_637 = vector.broadcast %jit3A_636 : f32 to vector<16xf32>
        %select_n3A_638 = arith.select %eq3A_635, %broadcast_in_dim3A_637, %scan3A_148 : vector<16xi1>, vector<16xf32>
        %add3A_639 = arith.constant 432 : i32
        %add3A_640 = vector.broadcast %add3A_639 : i32 to vector<16xi32>
        %add3A_641 = arith.addi %iota3A, %add3A_640 : vector<16xi32>
        %eq3A_642 = vector.broadcast %reduce_min3A_418 : i32 to vector<16xi32>
        %eq3A_643 = arith.cmpi eq, %add3A_641, %eq3A_642 : vector<16xi32>
        %jit3A_644 = arith.constant -3.40282306E+38 : f32
        %broadcast_in_dim3A_645 = vector.broadcast %jit3A_644 : f32 to vector<16xf32>
        %select_n3A_646 = arith.select %eq3A_643, %broadcast_in_dim3A_645, %scan3A_149 : vector<16xi1>, vector<16xf32>
        %add3A_647 = arith.constant 448 : i32
        %add3A_648 = vector.broadcast %add3A_647 : i32 to vector<16xi32>
        %add3A_649 = arith.addi %iota3A, %add3A_648 : vector<16xi32>
        %eq3A_650 = vector.broadcast %reduce_min3A_418 : i32 to vector<16xi32>
        %eq3A_651 = arith.cmpi eq, %add3A_649, %eq3A_650 : vector<16xi32>
        %jit3A_652 = arith.constant -3.40282306E+38 : f32
        %broadcast_in_dim3A_653 = vector.broadcast %jit3A_652 : f32 to vector<16xf32>
        %select_n3A_654 = arith.select %eq3A_651, %broadcast_in_dim3A_653, %scan3A_150 : vector<16xi1>, vector<16xf32>
        %add3A_655 = arith.constant 464 : i32
        %add3A_656 = vector.broadcast %add3A_655 : i32 to vector<16xi32>
        %add3A_657 = arith.addi %iota3A, %add3A_656 : vector<16xi32>
        %eq3A_658 = vector.broadcast %reduce_min3A_418 : i32 to vector<16xi32>
        %eq3A_659 = arith.cmpi eq, %add3A_657, %eq3A_658 : vector<16xi32>
        %jit3A_660 = arith.constant -3.40282306E+38 : f32
        %broadcast_in_dim3A_661 = vector.broadcast %jit3A_660 : f32 to vector<16xf32>
        %select_n3A_662 = arith.select %eq3A_659, %broadcast_in_dim3A_661, %scan3A_151 : vector<16xi1>, vector<16xf32>
        %add3A_663 = arith.constant 480 : i32
        %add3A_664 = vector.broadcast %add3A_663 : i32 to vector<16xi32>
        %add3A_665 = arith.addi %iota3A, %add3A_664 : vector<16xi32>
        %eq3A_666 = vector.broadcast %reduce_min3A_418 : i32 to vector<16xi32>
        %eq3A_667 = arith.cmpi eq, %add3A_665, %eq3A_666 : vector<16xi32>
        %jit3A_668 = arith.constant -3.40282306E+38 : f32
        %broadcast_in_dim3A_669 = vector.broadcast %jit3A_668 : f32 to vector<16xf32>
        %select_n3A_670 = arith.select %eq3A_667, %broadcast_in_dim3A_669, %scan3A_152 : vector<16xi1>, vector<16xf32>
        %add3A_671 = arith.constant 496 : i32
        %add3A_672 = vector.broadcast %add3A_671 : i32 to vector<16xi32>
        %add3A_673 = arith.addi %iota3A, %add3A_672 : vector<16xi32>
        %eq3A_674 = vector.broadcast %reduce_min3A_418 : i32 to vector<16xi32>
        %eq3A_675 = arith.cmpi eq, %add3A_673, %eq3A_674 : vector<16xi32>
        %jit3A_676 = arith.constant -3.40282306E+38 : f32
        %broadcast_in_dim3A_677 = vector.broadcast %jit3A_676 : f32 to vector<16xf32>
        %select_n3A_678 = arith.select %eq3A_675, %broadcast_in_dim3A_677, %scan3A_153 : vector<16xi1>, vector<16xf32>
        scf.yield %select_n3A_430, %select_n3A_438, %select_n3A_446, %select_n3A_454, %select_n3A_462, %select_n3A_470, %select_n3A_478, %select_n3A_486, %select_n3A_494, %select_n3A_502, %select_n3A_510, %select_n3A_518, %select_n3A_526, %select_n3A_534, %select_n3A_542, %select_n3A_550, %select_n3A_558, %select_n3A_566, %select_n3A_574, %select_n3A_582, %select_n3A_590, %select_n3A_598, %select_n3A_606, %select_n3A_614, %select_n3A_622, %select_n3A_630, %select_n3A_638, %select_n3A_646, %select_n3A_654, %select_n3A_662, %select_n3A_670, %select_n3A_678 : vector<16xf32>, vector<16xf32>, vector<16xf32>, vector<16xf32>, vector<16xf32>, vector<16xf32>, vector<16xf32>, vector<16xf32>, vector<16xf32>, vector<16xf32>, vector<16xf32>, vector<16xf32>, vector<16xf32>, vector<16xf32>, vector<16xf32>, vector<16xf32>, vector<16xf32>, vector<16xf32>, vector<16xf32>, vector<16xf32>, vector<16xf32>, vector<16xf32>, vector<16xf32>, vector<16xf32>, vector<16xf32>, vector<16xf32>, vector<16xf32>, vector<16xf32>, vector<16xf32>, vector<16xf32>, vector<16xf32>, vector<16xf32>
      }
      %scan3A_116 = arith.constant 52 : i32
      %dma_start3A = arith.constant 0 : i32
      %dma_start3A_117 = arith.constant 0 : i32
      %dma_start3A_118 = tpu.memref_slice %arg3[%dma_start3A, %dma_start3A_117] : memref<4096x64xf32, #tpu.memory_space<hbm>> -> memref<4096x64xf32, #tpu.memory_space<hbm>>
      tpu.enqueue_indirect_dma source(%dma_start3A_118 : memref<4096x64xf32, #tpu.memory_space<hbm>>) target(%arg7 : memref<64x64xf32, #tpu.memory_space<vmem>>) offsets(%arg6 : memref<64xi32, #tpu.memory_space<vmem>>) semaphore(%arg8 : memref<!tpu.dma_semaphore, #tpu.memory_space<semaphore_mem>>)
      %dma_wait3A = arith.constant 0 : i32
      %dma_wait3A_119 = arith.constant 0 : i32
      %dma_wait3A_120 = tpu.memref_slice %arg3[%dma_wait3A, %dma_wait3A_119] : memref<4096x64xf32, #tpu.memory_space<hbm>> -> memref<4096x64xf32, #tpu.memory_space<hbm>>
      tpu.wait_indirect_dma semaphore(%arg8 : memref<!tpu.dma_semaphore, #tpu.memory_space<semaphore_mem>>) src(%dma_wait3A_120 : memref<4096x64xf32, #tpu.memory_space<hbm>>) dst(%arg7 : memref<64x64xf32, #tpu.memory_space<vmem>>)
      "tpu.region"() ({
        %run_scoped3A = tpu.sem_alloc : memref<!tpu.dma_semaphore, #tpu.memory_space<semaphore_mem>>
        %dma_start3A_121 = arith.constant 0 : i32
        %dma_start3A_122 = arith.constant 0 : i32
        %dma_start3A_123 = tpu.memref_slice %arg7[%dma_start3A_121, %dma_start3A_122] : memref<64x64xf32, #tpu.memory_space<vmem>> -> memref<52x64xf32, #tpu.memory_space<vmem>>
        %dma_start3A_124 = arith.constant 0 : i32
        %dma_start3A_125 = arith.constant 0 : i32
        %dma_start3A_126 = tpu.memref_slice %arg4[%select_n3A, %dma_start3A_124, %dma_start3A_125] : memref<8x52x64xf32, #tpu.memory_space<hbm>> -> memref<1x52x64xf32, #tpu.memory_space<hbm>>
        %dma_start3A_127 = tpu.memref_squeeze %dma_start3A_126 : memref<1x52x64xf32, #tpu.memory_space<hbm>> -> memref<52x64xf32, #tpu.memory_space<hbm>>
        %dma_start3A_128 = arith.constant 0 : i32
        %dma_start3A_129 = arith.constant 0 : i32
        %dma_start3A_130 = tpu.memref_slice %arg4[%select_n3A, %dma_start3A_128, %dma_start3A_129] : memref<8x52x64xf32, #tpu.memory_space<hbm>> -> memref<1x52x64xf32, #tpu.memory_space<hbm>>
        %dma_start3A_131 = tpu.memref_squeeze %dma_start3A_130 : memref<1x52x64xf32, #tpu.memory_space<hbm>> -> memref<52x64xf32, #tpu.memory_space<hbm>>
        %dma_start3A_132 = arith.constant 0 : i32
        %dma_start3A_133 = arith.constant 0 : i32
        %dma_start3A_134 = tpu.memref_slice %arg7[%dma_start3A_132, %dma_start3A_133] : memref<64x64xf32, #tpu.memory_space<vmem>> -> memref<52x64xf32, #tpu.memory_space<vmem>>
        tpu.enqueue_dma source(%dma_start3A_134 : memref<52x64xf32, #tpu.memory_space<vmem>>) target(%dma_start3A_131 : memref<52x64xf32, #tpu.memory_space<hbm>>) target_semaphore(%run_scoped3A : memref<!tpu.dma_semaphore, #tpu.memory_space<semaphore_mem>>)
        %dma_wait3A_135 = arith.constant 0 : i32
        %dma_wait3A_136 = arith.constant 0 : i32
        %dma_wait3A_137 = tpu.memref_slice %arg7[%dma_wait3A_135, %dma_wait3A_136] : memref<64x64xf32, #tpu.memory_space<vmem>> -> memref<52x64xf32, #tpu.memory_space<vmem>>
        %dma_wait3A_138 = arith.constant 0 : i32
        %dma_wait3A_139 = arith.constant 0 : i32
        %dma_wait3A_140 = tpu.memref_slice %arg4[%select_n3A, %dma_wait3A_138, %dma_wait3A_139] : memref<8x52x64xf32, #tpu.memory_space<hbm>> -> memref<1x52x64xf32, #tpu.memory_space<hbm>>
        %dma_wait3A_141 = tpu.memref_squeeze %dma_wait3A_140 : memref<1x52x64xf32, #tpu.memory_space<hbm>> -> memref<52x64xf32, #tpu.memory_space<hbm>>
        %dma_wait3A_142 = arith.constant 0 : i32
        %dma_wait3A_143 = arith.constant 0 : i32
        %dma_wait3A_144 = tpu.memref_slice %arg4[%select_n3A, %dma_wait3A_142, %dma_wait3A_143] : memref<8x52x64xf32, #tpu.memory_space<hbm>> -> memref<1x52x64xf32, #tpu.memory_space<hbm>>
        %dma_wait3A_145 = tpu.memref_squeeze %dma_wait3A_144 : memref<1x52x64xf32, #tpu.memory_space<hbm>> -> memref<52x64xf32, #tpu.memory_space<hbm>>
        %dma_wait3A_146 = arith.constant 0 : i32
        %dma_wait3A_147 = arith.constant 0 : i32
        %dma_wait3A_148 = tpu.memref_slice %arg7[%dma_wait3A_146, %dma_wait3A_147] : memref<64x64xf32, #tpu.memory_space<vmem>> -> memref<52x64xf32, #tpu.memory_space<vmem>>
        tpu.wait_dma2 semaphore(%run_scoped3A : memref<!tpu.dma_semaphore, #tpu.memory_space<semaphore_mem>>) src(%dma_wait3A_148 : memref<52x64xf32, #tpu.memory_space<vmem>>) dst(%dma_wait3A_145 : memref<52x64xf32, #tpu.memory_space<hbm>>)
        tpu.yield
      }) : () -> ()
    } else {
    }
    return
  }
}

module attributes {stable_mosaic.version = 14 : i64} {
  func.func @_dense_body(%arg0: i32, %arg1: i32, %arg2: memref<1x128x64x512xf32, #tpu.memory_space<vmem>>, %arg3: memref<1x128x512xf32, #tpu.memory_space<vmem>>, %arg4: memref<1x512x64xf32, #tpu.memory_space<vmem>>, %arg5: memref<64x512xf32, #tpu.memory_space<vmem>>) attributes {dimension_semantics = [#tpu.dimension_semantics<arbitrary>, #tpu.dimension_semantics<arbitrary>], iteration_bounds = array<i64: 8, 1>, scalar_prefetch = 0 : i64, scratch_operands = 1 : i64, tpu.core_type = #tpu.core_type<tc>, window_params = [{transform_indices = @transform_0, window_bounds = array<i64: 1, 128, 64, 512>}, {transform_indices = @transform_1, window_bounds = array<i64: 1, 128, 512>}, {transform_indices = @transform_2, window_bounds = array<i64: 1, 512, 64>}]} {
    %get3A = arith.constant 0 : index
    %get3A_0 = arith.constant 0 : index
    %get3A_1 = arith.constant 0 : index
    %get3A_2 = arith.constant 0 : index
    %get3A_3 = vector.load %arg2[%get3A, %get3A_0, %get3A_1, %get3A_2] : memref<1x128x64x512xf32, #tpu.memory_space<vmem>>, vector<1x128x64x512xf32>
    %get3A_4 = vector.shape_cast %get3A_3 : vector<1x128x64x512xf32> to vector<128x64x512xf32>
    %mul3A = arith.mulf %get3A_4, %get3A_4 : vector<128x64x512xf32>
    %reduce_sum3A = arith.constant dense<0.000000e+00> : vector<128x512xf32>
    %reduce_sum3A_5 = vector.multi_reduction <add>, %mul3A, %reduce_sum3A [1] : vector<128x64x512xf32> to vector<128x512xf32>
    %sqrt3A = math.sqrt %reduce_sum3A_5 : vector<128x512xf32>
    %broadcast_in_dim3A = vector.shape_cast %sqrt3A : vector<128x512xf32> to vector<1x128x512xf32>
    %swap3A = arith.constant 0 : index
    %swap3A_6 = arith.constant 0 : index
    %swap3A_7 = arith.constant 0 : index
    %swap3A_8 = vector.load %arg3[%swap3A, %swap3A_6, %swap3A_7] : memref<1x128x512xf32, #tpu.memory_space<vmem>>, vector<1x128x512xf32>
    tpu.vector_store %arg3[%swap3A, %swap3A_6, %swap3A_7], %broadcast_in_dim3A {strides = array<i32>} : memref<1x128x512xf32, #tpu.memory_space<vmem>>, vector<1x128x512xf32>,
    %reduce_sum3A_9 = arith.constant dense<0.000000e+00> : vector<64x512xf32>
    %reduce_sum3A_10 = vector.multi_reduction <add>, %get3A_4, %reduce_sum3A_9 [0] : vector<128x64x512xf32> to vector<64x512xf32>
    %eq3A = arith.constant 0 : i32
    %eq3A_11 = arith.cmpi eq, %arg1, %eq3A : i32
    %convert_element_type3A = arith.extui %eq3A_11 : i1 to i32
    %cond3A = arith.constant 0 : i32
    %cond3A_12 = arith.cmpi ne, %convert_element_type3A, %cond3A : i32
    scf.if %cond3A_12 {
      %swap3A_22 = arith.constant 0 : index
      %swap3A_23 = arith.constant 0 : index
      %swap3A_24 = vector.load %arg5[%swap3A_22, %swap3A_23] : memref<64x512xf32, #tpu.memory_space<vmem>>, vector<64x512xf32>
      tpu.vector_store %arg5[%swap3A_22, %swap3A_23], %reduce_sum3A_10 {strides = array<i32>} : memref<64x512xf32, #tpu.memory_space<vmem>>, vector<64x512xf32>,
    } else {
    }
    %ne3A = arith.constant 0 : i32
    %ne3A_13 = arith.cmpi ne, %arg1, %ne3A : i32
    %convert_element_type3A_14 = arith.extui %ne3A_13 : i1 to i32
    %cond3A_15 = arith.constant 0 : i32
    %cond3A_16 = arith.cmpi ne, %convert_element_type3A_14, %cond3A_15 : i32
    scf.if %cond3A_16 {
      %get3A_22 = arith.constant 0 : index
      %get3A_23 = arith.constant 0 : index
      %get3A_24 = vector.load %arg5[%get3A_22, %get3A_23] : memref<64x512xf32, #tpu.memory_space<vmem>>, vector<64x512xf32>
      %add3A = arith.addf %get3A_24, %reduce_sum3A_10 : vector<64x512xf32>
      %swap3A_25 = arith.constant 0 : index
      %swap3A_26 = arith.constant 0 : index
      %swap3A_27 = vector.load %arg5[%swap3A_25, %swap3A_26] : memref<64x512xf32, #tpu.memory_space<vmem>>, vector<64x512xf32>
      tpu.vector_store %arg5[%swap3A_25, %swap3A_26], %add3A {strides = array<i32>} : memref<64x512xf32, #tpu.memory_space<vmem>>, vector<64x512xf32>,
    } else {
    }
    %eq3A_17 = arith.constant 0 : i32
    %eq3A_18 = arith.cmpi eq, %arg1, %eq3A_17 : i32
    %convert_element_type3A_19 = arith.extui %eq3A_18 : i1 to i32
    %cond3A_20 = arith.constant 0 : i32
    %cond3A_21 = arith.cmpi ne, %convert_element_type3A_19, %cond3A_20 : i32
    scf.if %cond3A_21 {
      %get3A_22 = arith.constant 0 : index
      %get3A_23 = arith.constant 0 : index
      %get3A_24 = vector.load %arg5[%get3A_22, %get3A_23] : memref<64x512xf32, #tpu.memory_space<vmem>>, vector<64x512xf32>
      %mul3A_25 = arith.constant 7.812500e-03 : f32
      %mul3A_26 = vector.broadcast %mul3A_25 : f32 to vector<64x512xf32>
      %mul3A_27 = arith.mulf %get3A_24, %mul3A_26 : vector<64x512xf32>
      %transpose3A = tpu.transpose %mul3A_27, [1, 0] : vector<64x512xf32> -> vector<512x64xf32>
      %broadcast_in_dim3A_28 = vector.shape_cast %transpose3A : vector<512x64xf32> to vector<1x512x64xf32>
      %swap3A_29 = arith.constant 0 : index
      %swap3A_30 = arith.constant 0 : index
      %swap3A_31 = arith.constant 0 : index
      %swap3A_32 = vector.load %arg4[%swap3A_29, %swap3A_30, %swap3A_31] : memref<1x512x64xf32, #tpu.memory_space<vmem>>, vector<1x512x64xf32>
      tpu.vector_store %arg4[%swap3A_29, %swap3A_30, %swap3A_31], %broadcast_in_dim3A_28 {strides = array<i32>} : memref<1x512x64xf32, #tpu.memory_space<vmem>>, vector<1x512x64xf32>,
    } else {
    }
    return
  }
  func.func @transform_0(%arg0: i32, %arg1: i32) -> (i32, i32, i32, i32) {
    %c0_i32 = arith.constant 0 : i32
    %c0_i32_0 = arith.constant 0 : i32
    %c0_i32_1 = arith.constant 0 : i32
    return %arg0, %arg1, %c0_i32, %c0_i32_0 : i32, i32, i32, i32
  }
  func.func @transform_1(%arg0: i32, %arg1: i32) -> (i32, i32, i32) {
    %c0_i32 = arith.constant 0 : i32
    %c0_i32_0 = arith.constant 0 : i32
    return %arg0, %arg1, %c0_i32 : i32, i32, i32
  }
  func.func @transform_2(%arg0: i32, %arg1: i32) -> (i32, i32, i32) {
    %c0_i32 = arith.constant 0 : i32
    %c0_i32_0 = arith.constant 0 : i32
    %c0_i32_1 = arith.constant 0 : i32
    return %arg0, %c0_i32, %c0_i32_0 : i32, i32, i32
  }
}

</mosaic_0001>

<sc_bundles>
// kernel: kernel.4.cloned.1.call-start
scs
__scs_entry_jumppad:
0x0: {  	(pc) =	sbr.rel $0x88, $3  }
0x1: {  	(tag) =	ssettag $0x0;
	lr =	simm.s32 $0x1  }
0x2: {  	[smem:$0x3F9F] =	sst lr;
	_ =	strace $0xD0000000  }
0x3: {  	_ = 	snop  }
0x4: {  	_ = 	snop  }
0x5: {  	_ = 	snop  }
0x6: {  	_ = 	snop  }
0x7: {  	_ = 	snop  }
__scs_overlays_trampoline_lowered:
0x8: {  	[smem:$0x3FAE] =	sst s0  }
0x9: {  	[smem:$0x3FAF] =	sst s1  }
0xa: {  	[smem:$0x3FB0] =	sst s2  }
0xb: {  	[smem:$0x3FB1] =	sst s3  }
0xc: {  	[smem:$0x3FB2] =	sst s4  }
0xd: {  	[smem:$0x3FB3] =	sst s5  }
0xe: {  	[smem:$0x3FB4] =	sst s6  }
0xf: {  	[smem:$0x3FB5] =	sst s7  }
0x10: {  	[smem:$0x3FB6] =	sst s8  }
0x11: {  	[smem:$0x3FB7] =	sst s9;
	s0 =	simm.s32 @!p0 $0x0  }
0x12: {  	s1 =	sld [smem:$0x3F9D];
	s0 =	simm.s32 @p0 $0x1  }
0x13: {  	[smem:$0x3FB8] =	sst s0;
	s0 =	simm.s32 @!p1 $0x0  }
0x14: {  	s2 =	sld [smem:$0x3F9C];
	s0 =	simm.s32 @p1 $0x1  }
0x15: {  	[smem:$0x3FB9] =	sst s0;
	s0 =	simm.s32 @!p2 $0x0  }
0x16: {  	s3 =	sld [smem:$0x3FDB];
	s0 =	simm.s32 @p2 $0x1  }
0x17: {  	s4 =	simm.s32 $0x1BF5;
	[smem:$0x3FBB] =	sst s0  }
0x18: {  	s0 =	sld [smem:$0x3F9E];
	_ =	swait.ge [sflag:s4], $0x0  }
0x19: {  	s7 =	sld [smem:$0x3F9F]  }
0x1a: {  	s8 =	sadd.s32 $0xFFFFE003, lr  }
0x1b: {  	s9 =	sadd.s32 $0xFFFFFEF7, lr;
	s5 =	simm.s32 $0xFFFFFFFF;
	p2 =	slt.u32 s8, $0xFFFFF086  }
0x1c: {  	p1 =	slt.u32 s9, $0xF7A;
	s5 =	simm.s32 @!p2 $0x0  }
0x1d: {  	s5 =	simm.s32 @p1 $0x1;
	p0 =	seq.s32 s7, s2  }
0x1e: {  	s7 =	smul.u32 @!p0 $0xF7A, s2;
	p2 =	seq.s32 @!p0 s5, $0x0  }
0x1f: {  	s9 =	smul.u32 $0xF7A, s1;
	s8 =	simm.s32 @!p0 $0x1BF5;
	p2 =	por !p2, p0  }
0x20: {  	[sflag:s8] =	ssyncset.s32 @!p0 $0xFFFFF086;
	s6 =	sadd.s32 @!p0 s3, s7;
	s7 =	simm.s32 @!p0 $0x108  }
0x21: {  	s3 =	sadd.s32 s3, s9;
	s6 =	sadd.s32 @!p0 $0x88, s6;
	s7 =	simm.s32 @p2 $0x1082  }
0x22: {  	[simem:s7], [sflag:s8] =	dma.local @!p0 [hbm:s6], $0xF7A  }
0x23: {  	s9 =	sor.u32 $0xD0000000, s2;
	s6 =	simm.s32 $0x108;
	_ =	swait.ge @!p0 [sflag:s8], $0x0  }
0x24: {  	s3 =	sadd.s32 $0x88, s3;
	s6 =	simm.s32 @!p1 $0x1082;
	[sflag:s4] =	ssyncset.s32 $0xFFFFF086  }
0x25: {  	[simem:s6], [sflag:s4] =	dma.local [hbm:s3], $0xF7A  }
0x26: {  	[smem:$0x3F9F] =	sst s1;
	(tag) =	ssettag s2;
	_ =	strace s9  }
0x27: {  	s1 =	sld [smem:$0x3FAF]  }
0x28: {  	s2 =	sld [smem:$0x3FB0]  }
0x29: {  	s4 =	sld [smem:$0x3FB2]  }
0x2a: {  	p0 =	seq.s32 s5, $0x0;
	s5 =	sld [smem:$0x3FB3]  }
0x2b: {  	s6 =	sld [smem:$0x3FB4]  }
0x2c: {  	s7 =	sld [smem:$0x3FB5]  }
0x2d: {  	s3 =	simm.s32 $0x108;
	s8 =	sld [smem:$0x3FB6]  }
0x2e: {  	s3 =	simm.s32 @!p0 $0x1082;
	s9 =	sld [smem:$0x3FB7]  }
0x2f: {  	lr =	sadd.s32 s0, s3;
	s0 =	sld [smem:$0x3FAE]  }
0x30: {  	s3 =	sld [smem:$0x3FB1]  }
0x31: {  	[smem:$0x3FBA] =	sst s10  }
0x32: {  	s10 =	sld [smem:$0x3FB8];
	_ =	sdelay $0x3  }
0x33: {  	p0 =	seq.s32 s10, $0x1;
	s10 =	sld [smem:$0x3FBA];
	_ =	sdelay $0x3  }
0x34: {  	[smem:$0x3FBA] =	sst s10  }
0x35: {  	s10 =	sld [smem:$0x3FB9];
	_ =	sdelay $0x3  }
0x36: {  	p1 =	seq.s32 s10, $0x1;
	s10 =	sld [smem:$0x3FBA];
	_ =	sdelay $0x3  }
0x37: {  	[smem:$0x3FBA] =	sst s10  }
0x38: {  	s10 =	sld [smem:$0x3FBB]  }
0x39: {  	_ = 	snop;
	(pc) =	sbr.ind lr, $3  }
0x3a: {  	_ = 	snop  }
0x3b: {  	_ = 	snop  }
0x3c: {  	p2 =	seq.s32 s10, $0x1;
	s10 =	sld [smem:$0x3FBA]  }
0x3d: {  	_ =	shalt  }
0x3e: {  	_ =	shalt  }
0x3f: {  	_ =	shalt  }
0x40: {  	_ =	shalt  }
0x41: {  	_ =	shalt  }
0x42: {  	_ =	shalt  }
0x43: {  	_ =	shalt  }
0x44: {  	_ =	shalt  }
0x45: {  	_ =	shalt  }
0x46: {  	_ =	shalt  }
0x47: {  	_ =	shalt  }
0x48: {  	_ =	shalt  }
0x49: {  	_ =	shalt  }
0x4a: {  	_ =	shalt  }
0x4b: {  	_ =	shalt  }
0x4c: {  	_ =	shalt  }
0x4d: {  	_ =	shalt  }
0x4e: {  	_ =	shalt  }
0x4f: {  	_ =	shalt  }
0x50: {  	_ =	shalt  }
0x51: {  	_ =	shalt  }
0x52: {  	_ =	shalt  }
0x53: {  	_ =	shalt  }
0x54: {  	_ =	shalt  }
0x55: {  	_ =	shalt  }
0x56: {  	_ =	shalt  }
0x57: {  	_ =	shalt  }
0x58: {  	_ =	shalt  }
0x59: {  	_ =	shalt  }
0x5a: {  	_ =	shalt  }
0x5b: {  	_ =	shalt  }
0x5c: {  	_ =	shalt  }
0x5d: {  	_ =	shalt  }
0x5e: {  	_ =	shalt  }
0x5f: {  	_ =	shalt  }
0x60: {  	_ =	shalt  }
0x61: {  	_ =	shalt  }
0x62: {  	_ =	shalt  }
0x63: {  	_ =	shalt  }
0x64: {  	_ =	shalt  }
0x65: {  	_ =	shalt  }
0x66: {  	_ =	shalt  }
0x67: {  	_ =	shalt  }
0x68: {  	_ =	shalt  }
0x69: {  	_ =	shalt  }
0x6a: {  	_ =	shalt  }
0x6b: {  	_ =	shalt  }
0x6c: {  	_ =	shalt  }
0x6d: {  	_ =	shalt  }
0x6e: {  	_ =	shalt  }
0x6f: {  	_ =	shalt  }
0x70: {  	_ =	shalt  }
0x71: {  	_ =	shalt  }
0x72: {  	_ =	shalt  }
0x73: {  	_ =	shalt  }
0x74: {  	_ =	shalt  }
0x75: {  	_ =	shalt  }
0x76: {  	_ =	shalt  }
0x77: {  	_ =	shalt  }
0x78: {  	_ =	shalt  }
0x79: {  	_ =	shalt  }
0x7a: {  	_ =	shalt  }
0x7b: {  	_ =	shalt  }
0x7c: {  	_ =	shalt  }
0x7d: {  	_ =	shalt  }
0x7e: {  	_ =	shalt  }
0x7f: {  	_ =	shalt  }
0x80: {  	_ =	shalt  }
0x81: {  	_ =	shalt  }
0x82: {  	_ =	shalt  }
0x83: {  	_ =	shalt  }
0x84: {  	_ =	shalt  }
0x85: {  	_ =	shalt  }
0x86: {  	_ =	shalt  }
0x87: {  	_ =	shalt  }
.Lfunc_end0:
.L_simem_size_0:
called_computation_lowered:
.L_overlay_start_0:
0x88: {  	s2 =	sld [smem:$0x3FD9]  }
0x89: {  	s3 =	sld [smem:$0x3FFE];
	_ =	sdelay $0x1  }
0x8a: {  	s1 =	srdreg.scid  }
0x8b: {  	s0 =	sand.u32 $0x1, s1  }
0x8c: {  	s17 =	sshll.u32 s0, $0xA;
	s2 =	sadd.s32 s3, s2  }
0x8d: {  	s2 =	sadd.s32 s2, s17  }
0x8e: {  	[smem:$0x3FC6] =	sst s2  }
0x8f: {  	_ = 	snop  }
0x90: {  	s2 =	sld [smem:$0x3FD0];
	(tm) =	ssettm $0x1  }
0x91: {  	s18 =	sld [smem:$0x3FFB];
	_ =	sdelay $0x3  }
0x92: {  	_ =	strace s18  }
0x93: {  	s3 =	sld [smem:$0x3FFC];
	_ =	sdelay $0x3  }
0x94: {  	_ =	strace s3  }
0x95: {  	s3 =	sld [smem:$0x3FFD];
	_ =	sdelay $0x3  }
0x96: {  	_ =	strace s3  }
0x97: {  	_ =	strace $0x8FFFFFFF  }
0x98: {  	s19 =	sld [smem:$0x3FDB];
	_ =	sdelay $0x1  }
0x99: {  	s4 =	simm.s32 $_scs_section_size  }
0x9a: {  	s5 =	simm.s32 $_size__tile_overlayer_lowered;
	s6 =	simm.s32 $_tile_overlayer_lowered  }
0x9b: {  	s22 =	simm.s32 $0x1BFF;
	s21 =	sshll.u32 s6, $0x1;
	s3 =	sadd.s32 s4, s19  }
0x9c: {  	s7 =	simm.s32 $0x0;
	s20 =	sshll.u32 s5, $0x1;
	s5 =	sadd.s32 s21, s3  }
0x9d: {  	[timem:s7], [sflag:s22] =	dma.local [hbm:s5], s20  }
0x9e: {  	_ =	swait.ge [sflag:s22], s20  }
0x9f: {  	s4 =	ssub.s32 $0x0, s20;
	[sflag:s22] =	ssyncset.done $0x0  }
0xa0: {  	[sflag:s22] =	ssyncadd.s32 s4;
	_ =	sdelay $0x1  }
0xa1: {  	s23 =	simm.s32 $0x1B8B  }
0xa2: {  	_ =	swait.ge [sflag:s23], $0x1  }
0xa3: {  	[sflag:s23] =	ssyncset.done $0x0  }
0xa4: {  	s25 =	simm.s32 $0x1B8E;
	s24 =	sld [smem:$0x3FFE];
	[sflag:s23] =	ssyncadd.s32 $0xFFFFFFFF  }
0xa5: {  	s26 =	simm.s32 $execute0_lowered;
	[smem:$0x3FD2] =	sst s25  }
0xa6: {  	s5 =	sshll.u32 s26, $0x1;
	_ =	strace $0x80000046;
	[dreg:$0x1] =	wrdreg $0xFFFFFFFF  }
0xa7: {  	s28 =	simm.s32 $_size_execute0_lowered;
	s3 =	sadd.s32 s3, s5;
	[dreg:$0x0] =	wrdreg $0x0  }
0xa8: {  	s5 =	sshll.u32 s28, $0x1;
	[dreg:$0x2] =	wrdreg s3  }
0xa9: {  	[dreg:$0x3] =	wrdreg s5  }
0xaa: {  	[dreg:$0x4] =	wrdreg $0xC0  }
0xab: {  	_ =	task [dreg:s7], $0x5FFFF  }
0xac: {  	[dreg:$0x1] =	wrdreg $0xFFFFFFFF  }
0xad: {  	[dreg:$0x0] =	wrdreg $0x60  }
0xae: {  	[dreg:$0x2] =	wrdreg s24  }
0xaf: {  	[dreg:$0x3] =	wrdreg s2  }
0xb0: {  	[dreg:$0x4] =	wrdreg $0x9  }
0xb1: {  	_ =	task.clear_ibuf [dreg:s7], $0x5FFFF;
	_ =	strace $0x90000046  }
0xb2: {  	s29 =	simm.s32 $0x9;
	_ =	strace $0x80000048  }
0xb3: {  	_ =	swait.ge [sflag:s29], $0x1  }
0xb4: {  	[sflag:s29] =	ssyncadd.s32 $0xFFFFFFFF  }
0xb5: {  	_ =	strace $0x90000048  }
0xb6: {  	_ =	sfence  }
0xb7: {  	s30 =	sld [smem:$0x0];
	_ =	sdelay $0x2  }
0xb8: {  	s31 =	sshll.u32 s1, $0xD;
	s1 =	sshrl.u32 s1, $0x2  }
0xb9: {  	s3 =	sand.u32 $0x4000, s31;
	s1 =	sadd.s32 s1, s30  }
0xba: {  	s0 =	sor.u32 s3, s0;
	s1 =	sshll.u32 s1, $0x11  }
0xbb: {  	s0 =	sor.u32 s1, s0  }
0xbc: {  	s0 =	sadd.s32 $0x8F2B, s0  }
0xbd: {  	[sflag:s0] =	ssyncadd.remote.s32 $0x1  }
0xbe: {  	_ =	sfence.sel $0xFFFF  }
0xbf: {  	[dreg:$0x0] =	wrdreg $0xFFFFFFFF;
	(pc) =	sbr.abs _section_cstart, $3  }
0xc0: {  	[dreg:$0x1] =	wrdreg $0xFFFFFFFF  }
0xc1: {  	_ =	task.clear_ibuf [dreg:s7], $0x2FFFF;
	_ =	strace $0x9FFFFFFF  }
0xc2: {  	(tm) =	ssettm $0x7FFFFFFF  }
0xc3: {  	_ =	shalt  }
tec
execute0_lowered:
.L_overlay_start_1:
0x0: {  	(tag) =	ssettag $0x1  }
0x1: {  	s1 =	stileid.u32  }
0x2: {  	s5 =	sand.u32 $0x3, s1  }
0x3: {  	p0 =	sne.s32 s5, $0x0  }
.Ltmp0:
0x4: {  	_ = 	snop;
	(pc) =	sbr.rel @p0 .LBB2_5-.Ltmp0, $4  }
0x5: {  	s4 =	rddreg [dreg:$0x0]  }
0x6: {  	s2 =	rddreg [dreg:$0x1];
	s3 =	simm.s32 $0x0  }
0x7: {  	[smem:$0x7FF] =	sst s3  }
0x8: {  	s0 =	rddreg [dreg:$0x2];
	_ =	strace $0x80000047  }
0x9: {  	v4 =	vlaneseq.u32  }
0xa: {  	v0 =	vor.u32 $0x800001F0, v4  }
0xb: {  	v34 =	vor.u32 $0x800001E0, v4;
	[tilespmem:$0x1FE10] =	vst v0  }
0xc: {  	v35 =	vor.u32 $0x800001D0, v4;
	[tilespmem:$0x1FE20] =	vst v34  }
0xd: {  	v36 =	vor.u32 $0x800001C0, v4;
	[tilespmem:$0x1FE30] =	vst v35  }
0xe: {  	v37 =	vor.u32 $0x800001B0, v4;
	[tilespmem:$0x1FE40] =	vst v36  }
0xf: {  	v38 =	vor.u32 $0x800001A0, v4;
	[tilespmem:$0x1FE50] =	vst v37  }
0x10: {  	v39 =	vor.u32 $0x80000190, v4;
	[tilespmem:$0x1FE60] =	vst v38  }
0x11: {  	v40 =	vor.u32 $0x80000180, v4;
	[tilespmem:$0x1FE70] =	vst v39  }
0x12: {  	v41 =	vor.u32 $0x80000170, v4;
	[tilespmem:$0x1FE80] =	vst v40  }
0x13: {  	v42 =	vor.u32 $0x80000160, v4;
	[tilespmem:$0x1FE90] =	vst v41  }
0x14: {  	v43 =	vor.u32 $0x80000150, v4;
	[tilespmem:$0x1FEA0] =	vst v42  }
0x15: {  	v44 =	vor.u32 $0x80000140, v4;
	[tilespmem:$0x1FEB0] =	vst v43  }
0x16: {  	v45 =	vor.u32 $0x80000130, v4;
	[tilespmem:$0x1FEC0] =	vst v44  }
0x17: {  	v46 =	vor.u32 $0x80000120, v4;
	[tilespmem:$0x1FED0] =	vst v45  }
0x18: {  	v47 =	vor.u32 $0x80000110, v4;
	[tilespmem:$0x1FEE0] =	vst v46  }
0x19: {  	v48 =	vor.u32 $0x80000100, v4;
	[tilespmem:$0x1FEF0] =	vst v47  }
0x1a: {  	v49 =	vor.u32 $0x800000F0, v4;
	[tilespmem:$0x1FF00] =	vst v48  }
0x1b: {  	v50 =	vor.u32 $0x800000E0, v4;
	[tilespmem:$0x1FF10] =	vst v49  }
0x1c: {  	s5 =	srdreg.scid;
	v51 =	vor.u32 $0x800000D0, v4;
	[tilespmem:$0x1FF20] =	vst v50  }
0x1d: {  	s5 =	sand.u32 $0x1, s5;
	v52 =	vor.u32 $0x800000C0, v4;
	[tilespmem:$0x1FF30] =	vst v51  }
0x1e: {  	v53 =	vor.u32 $0x800000B0, v4;
	s6 =	sshll.u32 s5, $0x4;
	[tilespmem:$0x1FF40] =	vst v52  }
0x1f: {  	v54 =	vor.u32 $0x800000A0, v4;
	[tilespmem:$0x1FF50] =	vst v53;
	s6 =	sor.u32 s1, s6  }
0x20: {  	v55 =	vor.u32 $0x80000090, v4;
	[tilespmem:$0x1FF60] =	vst v54;
	p1 =	seq.s32 s6, $0x0  }
0x21: {  	v56 =	vor.u32 $0x80000080, v4;
	[tilespmem:$0x1FF70] =	vst v55;
	p0 =	por !p0, !p1  }
0x22: {  	s7 =	simm.s32 $0x1;
	v57 =	vor.u32 $0x80000070, v4;
	[tilespmem:$0x1FF80] =	vst v56;
	p0 =	por !p0, !p0  }
0x23: {  	s8 =	sadd.s32 $0x10400, s4;
	v58 =	vor.u32 $0x80000060, v4;
	[tilespmem:$0x1FF90] =	vst v57;
	s6 =	sshrl.u32 s6, $0x2;
	s7 =	simm.s32 @!p0 $0x0  }
0x24: {  	s11 =	simm.s32 $0x240;
	s12 =	simm.s32 $0x0;
	v59 =	vor.u32 $0x80000050, v4;
	[tilespmem:$0x1FFA0] =	vst v58;
	s6 =	ssub.s32 s6, s7  }
0x25: {  	v60 =	vor.u32 $0x80000040, v4;
	s30 =	ssub.s32 $0x2, s5;
	[tilespmem:$0x1FFB0] =	vst v59;
	s7 =	smul.u32 $0xD00, s6;
	s10 =	sshll.u32 s6, $0x9  }
0x26: {  	v62 =	vor.u32 $0x80000030, v4;
	s5 =	simm.s32 $0x1;
	[tilespmem:$0x1FFC0] =	vst v60;
	s31 =	sshrl.u32 s30, $0x1;
	s9 =	sshrl.u32 s10, $0x3  }
0x27: {  	v63 =	vor.u32 $0x80000020, v4;
	[tilespmem:$0x1FFE0] =	vst v62;
	v61 =	vmov s10;
	s10 =	simm.s32 $0x40;
	s7 =	sshrl.u32 s7, $0x3;
	s6 =	sadd.s32 s8, s9  }
0x28: {  	[tilespmem:$0x1FFF0] =	vst v63;
	s8 =	simm.s32 $0x2;
	s29 =	sadd.s32 s7, s4;
	s7 =	ssub.s32 s30, s31  }
0x29: {  	s9 =	simm.s32 $0x200;
	[tilespmem:$0x1FFD0] =	vst v61;
	s4 =	sadd.s32 $0x400, s29;
	s7 =	smax.u32 s7, $0x1  }
.LBB2_2:
0x2a: {  	s13 =	simm.s32 $0x0  }
0x2b: {  	[tilespmem:s13], [sflag:$0x2] =	stream.linear.gather [hbm4b:s6+s13], $0x200, $0x38;
	[tilespmem:$0x1240] =	vst v63  }
0x2c: {  	_ =	swait.ge [sflag:s8], $0x200  }
0x2d: {  	[sflag:s8] =	ssyncset.done $0x0  }
0x2e: {  	[sflag:s8] =	ssyncadd.s32 $0xFFFFFE00  }
0x2f: {  	v0 =	vld [tilespmem:$0x0]  }
0x30: {  	v1 =	vld [tilespmem:$0x10]  }
0x31: {  	v8 =	vld [tilespmem:$0x20]  }
0x32: {  	v62 =	vld [tilespmem:$0x30]  }
0x33: {  	v61 =	vld [tilespmem:$0x40]  }
0x34: {  	v60 =	vld [tilespmem:$0x50]  }
0x35: {  	v59 =	vld [tilespmem:$0x60];
	v2 =	vmax.f32 v0, v1  }
0x36: {  	v58 =	vld [tilespmem:$0x70];
	v2 =	vmax.f32 v2, v8  }
0x37: {  	v57 =	vld [tilespmem:$0x80];
	v2 =	vmax.f32 v2, v62  }
0x38: {  	v56 =	vld [tilespmem:$0x90];
	v2 =	vmax.f32 v2, v61  }
0x39: {  	v55 =	vld [tilespmem:$0xA0];
	v2 =	vmax.f32 v2, v60  }
0x3a: {  	v54 =	vld [tilespmem:$0xB0];
	v2 =	vmax.f32 v2, v59  }
0x3b: {  	v53 =	vld [tilespmem:$0xC0];
	v2 =	vmax.f32 v2, v58  }
0x3c: {  	v52 =	vld [tilespmem:$0xD0];
	v2 =	vmax.f32 v2, v57  }
0x3d: {  	v51 =	vld [tilespmem:$0xE0];
	v2 =	vmax.f32 v2, v56  }
0x3e: {  	v50 =	vld [tilespmem:$0xF0];
	v2 =	vmax.f32 v2, v55  }
0x3f: {  	v49 =	vld [tilespmem:$0x100];
	v2 =	vmax.f32 v2, v54  }
0x40: {  	v48 =	vld [tilespmem:$0x110];
	v2 =	vmax.f32 v2, v53  }
0x41: {  	v47 =	vld [tilespmem:$0x120];
	v2 =	vmax.f32 v2, v52  }
0x42: {  	v46 =	vld [tilespmem:$0x130];
	v2 =	vmax.f32 v2, v51  }
0x43: {  	v45 =	vld [tilespmem:$0x140];
	v2 =	vmax.f32 v2, v50  }
0x44: {  	v44 =	vld [tilespmem:$0x150];
	v2 =	vmax.f32 v2, v49  }
0x45: {  	v43 =	vld [tilespmem:$0x160];
	v2 =	vmax.f32 v2, v48  }
0x46: {  	v42 =	vld [tilespmem:$0x170];
	v2 =	vmax.f32 v2, v47  }
0x47: {  	v41 =	vld [tilespmem:$0x180];
	v2 =	vmax.f32 v2, v46  }
0x48: {  	v40 =	vld [tilespmem:$0x190];
	v2 =	vmax.f32 v2, v45  }
0x49: {  	v38 =	vld [tilespmem:$0x1A0];
	v2 =	vmax.f32 v2, v44  }
0x4a: {  	v37 =	vld [tilespmem:$0x1B0];
	v2 =	vmax.f32 v2, v43  }
0x4b: {  	v35 =	vld [tilespmem:$0x1C0];
	v2 =	vmax.f32 v2, v42  }
0x4c: {  	v34 =	vld [tilespmem:$0x1D0];
	v2 =	vmax.f32 v2, v41  }
0x4d: {  	v32 =	vld [tilespmem:$0x1E0];
	v2 =	vmax.f32 v2, v40  }
0x4e: {  	v33 =	vld [tilespmem:$0x1F0];
	v2 =	vmax.f32 v2, v38  }
0x4f: {  	v2 =	vmax.f32 v2, v37  }
0x50: {  	v2 =	vmax.f32 v2, v35  }
0x51: {  	v2 =	vmax.f32 v2, v34  }
0x52: {  	v2 =	vmax.f32 v2, v32  }
0x53: {  	v2 =	vmax.f32 v2, v33  }
0x54: {  	(xrf0) =	vmax.scan.msk.f32 $0xffff, v2;
	_ =	sdelay $0x4  }
0x55: {  	v3 =	vld [tilespmem:$0x1FE10]  }
0x56: {  	v5 =	vld [tilespmem:$0x1FE20];
	v2, _, _ =	vpop (xrf0)  }
0x57: {  	v2 =	vbroadcast v2, $0xF;
	_ =	sdelay $0x1  }
0x58: {  	vm0 =	veq.f32 v33, v2  }
0x59: {  	vm1 =	veq.f32 v32, v2;
	v3 =	vnsel vm0, $0xC0000000, v3  }
0x5a: {  	v3 =	vsel vm1, v5, v3;
	v5 =	vld [tilespmem:$0x1FE30];
	_ =	sdelay $0x3  }
0x5b: {  	vm0 =	veq.f32 v34, v2  }
0x5c: {  	v3 =	vsel vm0, v5, v3;
	v5 =	vld [tilespmem:$0x1FE40];
	_ =	sdelay $0x3  }
0x5d: {  	vm1 =	veq.f32 v35, v2  }
0x5e: {  	v3 =	vsel vm1, v5, v3;
	v5 =	vld [tilespmem:$0x1FE50];
	_ =	sdelay $0x3  }
0x5f: {  	vm0 =	veq.f32 v37, v2  }
0x60: {  	v3 =	vsel vm0, v5, v3;
	v5 =	vld [tilespmem:$0x1FE60];
	_ =	sdelay $0x3  }
0x61: {  	vm1 =	veq.f32 v38, v2  }
0x62: {  	v3 =	vsel vm1, v5, v3;
	v5 =	vld [tilespmem:$0x1FE70];
	_ =	sdelay $0x3  }
0x63: {  	vm0 =	veq.f32 v40, v2  }
0x64: {  	v3 =	vsel vm0, v5, v3;
	v5 =	vld [tilespmem:$0x1FE80];
	_ =	sdelay $0x3  }
0x65: {  	vm1 =	veq.f32 v41, v2  }
0x66: {  	v3 =	vsel vm1, v5, v3;
	v5 =	vld [tilespmem:$0x1FE90];
	_ =	sdelay $0x3  }
0x67: {  	vm0 =	veq.f32 v42, v2  }
0x68: {  	v3 =	vsel vm0, v5, v3;
	v5 =	vld [tilespmem:$0x1FEA0];
	_ =	sdelay $0x3  }
0x69: {  	vm1 =	veq.f32 v43, v2  }
0x6a: {  	v3 =	vsel vm1, v5, v3;
	v5 =	vld [tilespmem:$0x1FEB0];
	_ =	sdelay $0x3  }
0x6b: {  	vm0 =	veq.f32 v44, v2  }
0x6c: {  	v3 =	vsel vm0, v5, v3;
	v5 =	vld [tilespmem:$0x1FEC0];
	_ =	sdelay $0x3  }
0x6d: {  	vm1 =	veq.f32 v45, v2  }
0x6e: {  	v3 =	vsel vm1, v5, v3;
	v5 =	vld [tilespmem:$0x1FED0];
	_ =	sdelay $0x3  }
0x6f: {  	vm0 =	veq.f32 v46, v2  }
0x70: {  	v3 =	vsel vm0, v5, v3;
	v5 =	vld [tilespmem:$0x1FEE0];
	_ =	sdelay $0x3  }
0x71: {  	vm1 =	veq.f32 v47, v2  }
0x72: {  	v3 =	vsel vm1, v5, v3;
	v5 =	vld [tilespmem:$0x1FEF0];
	_ =	sdelay $0x3  }
0x73: {  	vm0 =	veq.f32 v48, v2  }
0x74: {  	v3 =	vsel vm0, v5, v3;
	v5 =	vld [tilespmem:$0x1FF00];
	_ =	sdelay $0x3  }
0x75: {  	vm1 =	veq.f32 v49, v2  }
0x76: {  	v3 =	vsel vm1, v5, v3;
	v5 =	vld [tilespmem:$0x1FF10];
	_ =	sdelay $0x3  }
0x77: {  	vm0 =	veq.f32 v50, v2  }
0x78: {  	v3 =	vsel vm0, v5, v3;
	v5 =	vld [tilespmem:$0x1FF20];
	_ =	sdelay $0x3  }
0x79: {  	vm1 =	veq.f32 v51, v2  }
0x7a: {  	v3 =	vsel vm1, v5, v3;
	v5 =	vld [tilespmem:$0x1FF30];
	_ =	sdelay $0x3  }
0x7b: {  	vm0 =	veq.f32 v52, v2  }
0x7c: {  	v3 =	vsel vm0, v5, v3;
	v5 =	vld [tilespmem:$0x1FF40];
	_ =	sdelay $0x3  }
0x7d: {  	vm1 =	veq.f32 v53, v2  }
0x7e: {  	v3 =	vsel vm1, v5, v3;
	v5 =	vld [tilespmem:$0x1FF50];
	_ =	sdelay $0x3  }
0x7f: {  	vm0 =	veq.f32 v54, v2  }
0x80: {  	v3 =	vsel vm0, v5, v3;
	v5 =	vld [tilespmem:$0x1FF60];
	_ =	sdelay $0x3  }
0x81: {  	vm1 =	veq.f32 v55, v2  }
0x82: {  	v3 =	vsel vm1, v5, v3;
	v5 =	vld [tilespmem:$0x1FF70];
	_ =	sdelay $0x3  }
0x83: {  	vm0 =	veq.f32 v56, v2  }
0x84: {  	v3 =	vsel vm0, v5, v3;
	v5 =	vld [tilespmem:$0x1FF80];
	_ =	sdelay $0x3  }
0x85: {  	vm1 =	veq.f32 v57, v2  }
0x86: {  	v3 =	vsel vm1, v5, v3;
	v5 =	vld [tilespmem:$0x1FF90];
	_ =	sdelay $0x3  }
0x87: {  	vm0 =	veq.f32 v58, v2  }
0x88: {  	v3 =	vsel vm0, v5, v3;
	v5 =	vld [tilespmem:$0x1FFA0];
	_ =	sdelay $0x3  }
0x89: {  	vm1 =	veq.f32 v59, v2  }
0x8a: {  	v3 =	vsel vm1, v5, v3;
	v5 =	vld [tilespmem:$0x1FFB0];
	_ =	sdelay $0x3  }
0x8b: {  	vm0 =	veq.f32 v60, v2  }
0x8c: {  	v3 =	vsel vm0, v5, v3;
	v5 =	vld [tilespmem:$0x1FFC0];
	_ =	sdelay $0x3  }
0x8d: {  	vm1 =	veq.f32 v61, v2  }
0x8e: {  	v3 =	vsel vm1, v5, v3;
	v5 =	vld [tilespmem:$0x1FFE0];
	_ =	sdelay $0x3  }
0x8f: {  	vm0 =	veq.f32 v62, v2  }
0x90: {  	v3 =	vsel vm0, v5, v3;
	v5 =	vld [tilespmem:$0x1FFF0];
	_ =	sdelay $0x3  }
0x91: {  	vm1 =	veq.f32 v8, v2  }
0x92: {  	vm0 =	veq.f32 v1, v2;
	v3 =	vsel vm1, v5, v3;
	v5 =	vor.u32 $0x80000010, v4  }
0x93: {  	vm1 =	veq.f32 v0, v2;
	v2 =	vsel vm0, v5, v3;
	v3 =	vor.u32 $0x80000000, v4  }
0x94: {  	v2 =	vsel vm1, v3, v2  }
0x95: {  	(xrf0) =	vmin.scan.msk.u32 $0xffff, v2;
	_ =	sdelay $0x5  }
0x96: {  	v2, _, _ =	vpop (xrf0)  }
0x97: {  	(v2sf) =	vpush v2, $0xF;
	_ =	sdelay $0x7  }
0x98: {  	v30 =	vor.u32 $0x10, v4;
	v29 =	vor.u32 $0x20, v4;
	v36 =	vor.u32 $0x30, v4  }
0x99: {  	v39 =	vor.u32 $0x40, v4;
	v31 =	vor.u32 $0x50, v4;
	v28 =	vor.u32 $0x60, v4  }
0x9a: {  	v27 =	vor.u32 $0x70, v4;
	v26 =	vor.u32 $0x80, v4;
	v25 =	vor.u32 $0x90, v4  }
0x9b: {  	v24 =	vor.u32 $0xA0, v4;
	v23 =	vor.u32 $0xB0, v4;
	v22 =	vor.u32 $0xC0, v4  }
0x9c: {  	v21 =	vor.u32 $0xD0, v4;
	v20 =	vor.u32 $0xE0, v4;
	v19 =	vor.u32 $0xF0, v4  }
0x9d: {  	v18 =	vor.u32 $0x100, v4;
	v17 =	vor.u32 $0x110, v4;
	v16 =	vor.u32 $0x120, v4;
	[tilespmem:$0x1FDD0] =	vst v3;
	v3 =	vld [tilespmem:$0x1FFD0]  }
0x9e: {  	v15 =	vor.u32 $0x130, v4;
	v14 =	vor.u32 $0x140, v4;
	[tilespmem:$0x1FDC0] =	vst v5;
	v2 =	vor.u32 $0x1A0, v4  }
0x9f: {  	v12 =	vor.u32 $0x150, v4;
	v9 =	vor.u32 $0x160, v4;
	[tilespmem:$0x1FDE0] =	vst v2;
	v2 =	vor.u32 $0x1B0, v4;
	s31 =	spop (v2sf)  }
0xa0: {  	v7 =	vor.u32 $0x170, v4;
	v6 =	vor.u32 $0x180, v4;
	[tilespmem:$0x1FDF0] =	vst v2;
	v2 =	vor.u32 $0x1C0, v4;
	s14 =	sxor.u32 $0x80000000, s31  }
0xa1: {  	v10 =	vor.u32 $0x1D0, v4;
	v11 =	vor.u32 $0x1E0, v4;
	[tilespmem:$0x1FE00] =	vst v2;
	v2 =	vmov s14  }
0xa2: {  	v13 =	vmov s13;
	v5 =	vor.u32 $0x190, v4;
	[tilespmem:$0x200] =	vst v3;
	vm0 =	veq.s32 v2, v4  }
0xa3: {  	[tilespmem:$0x210] =	vst v3;
	vm1 =	veq.s32 v2, v30;
	vm2 =	veq.s32 v2, v29;
	v63 =	vsel vm0, $0xFF7FFFFD, v0  }
0xa4: {  	[tilespmem:$0x220] =	vst v3;
	v0 =	vsel vm1, $0xFF7FFFFD, v1;
	v1 =	vsel vm2, $0xFF7FFFFD, v8;
	vm1 =	veq.s32 v2, v36  }
0xa5: {  	s15 =	simm.s32 $0x2;
	s13 =	simm.s32 $0x1;
	[tilespmem:$0x230] =	vst v3;
	vm0 =	veq.s32 v2, v39;
	v8 =	vor.u32 $0x1F0, v4;
	v3 =	vmax.f32 v63, v0  }
.LBB2_3:
0xa6: {  	v3 =	vmax.f32 v3, v1  }
0xa7: {  	v62 =	vsel vm1, $0xFF7FFFFD, v62;
	v61 =	vsel vm0, $0xFF7FFFFD, v61;
	vm0 =	veq.s32 v2, v31  }
0xa8: {  	vm1 =	veq.s32 v2, v28;
	v3 =	vmax.f32 v3, v62;
	v60 =	vsel vm0, $0xFF7FFFFD, v60  }
0xa9: {  	v59 =	vsel vm1, $0xFF7FFFFD, v59;
	vm0 =	veq.s32 v2, v27;
	vm1 =	veq.s32 v2, v26  }
0xaa: {  	v3 =	vmax.f32 v3, v61;
	v58 =	vsel vm0, $0xFF7FFFFD, v58;
	v57 =	vsel vm1, $0xFF7FFFFD, v57  }
0xab: {  	vm0 =	veq.s32 v2, v25;
	vm1 =	veq.s32 v2, v24;
	v3 =	vmax.f32 v3, v60  }
0xac: {  	v56 =	vsel vm0, $0xFF7FFFFD, v56;
	v55 =	vsel vm1, $0xFF7FFFFD, v55;
	vm0 =	veq.s32 v2, v23  }
0xad: {  	vm1 =	veq.s32 v2, v22;
	v3 =	vmax.f32 v3, v59;
	v54 =	vsel vm0, $0xFF7FFFFD, v54  }
0xae: {  	v53 =	vsel vm1, $0xFF7FFFFD, v53;
	vm0 =	veq.s32 v2, v21;
	v3 =	vmax.f32 v3, v58  }
0xaf: {  	vm1 =	veq.s32 v2, v20;
	v52 =	vsel vm0, $0xFF7FFFFD, v52;
	v3 =	vmax.f32 v3, v57  }
0xb0: {  	v51 =	vsel vm1, $0xFF7FFFFD, v51;
	vm0 =	veq.s32 v2, v19;
	v3 =	vmax.f32 v3, v56  }
0xb1: {  	vm1 =	veq.s32 v2, v18;
	v50 =	vsel vm0, $0xFF7FFFFD, v50;
	v3 =	vmax.f32 v3, v55  }
0xb2: {  	v4 =	vld [tilespmem:$0x1FDE0];
	v49 =	vsel vm1, $0xFF7FFFFD, v49;
	vm0 =	veq.s32 v2, v17;
	v3 =	vmax.f32 v3, v54  }
0xb3: {  	vm1 =	veq.s32 v2, v16;
	v48 =	vsel vm0, $0xFF7FFFFD, v48;
	v3 =	vmax.f32 v3, v53  }
0xb4: {  	v47 =	vsel vm1, $0xFF7FFFFD, v47;
	vm1 =	veq.s32 v2, v14;
	v3 =	vmax.f32 v3, v52  }
0xb5: {  	v45 =	vsel vm1, $0xFF7FFFFD, v45;
	vm1 =	veq.s32 v2, v9;
	v3 =	vmax.f32 v3, v51  }
0xb6: {  	v43 =	vsel vm1, $0xFF7FFFFD, v43;
	vm1 =	veq.s32 v2, v6;
	v3 =	vmax.f32 v3, v50  }
0xb7: {  	v41 =	vsel vm1, $0xFF7FFFFD, v41;
	vm1 =	veq.s32 v2, v4;
	v4 =	vld [tilespmem:$0x1FDF0];
	v3 =	vmax.f32 v3, v49  }
0xb8: {  	vm0 =	veq.s32 v2, v15;
	v3 =	vmax.f32 v3, v48  }
0xb9: {  	v46 =	vsel vm0, $0xFF7FFFFD, v46;
	vm0 =	veq.s32 v2, v12;
	v3 =	vmax.f32 v3, v47  }
0xba: {  	v44 =	vsel vm0, $0xFF7FFFFD, v44;
	vm0 =	veq.s32 v2, v7;
	v3 =	vmax.f32 v3, v46  }
0xbb: {  	v42 =	vsel vm0, $0xFF7FFFFD, v42;
	vm0 =	veq.s32 v2, v5;
	v3 =	vmax.f32 v3, v45  }
0xbc: {  	v40 =	vsel vm0, $0xFF7FFFFD, v40;
	vm0 =	veq.s32 v2, v4;
	v4 =	vld [tilespmem:$0x1FE00];
	v3 =	vmax.f32 v3, v44  }
0xbd: {  	v3 =	vmax.f32 v3, v43  }
0xbe: {  	v3 =	vmax.f32 v3, v42  }
0xbf: {  	v3 =	vmax.f32 v3, v41  }
0xc0: {  	v38 =	vsel vm1, $0xFF7FFFFD, v38;
	v3 =	vmax.f32 v3, v40  }
0xc1: {  	v37 =	vsel vm0, $0xFF7FFFFD, v37;
	vm1 =	veq.s32 v2, v4;
	v3 =	vmax.f32 v3, v38  }
0xc2: {  	vm0 =	veq.s32 v2, v10;
	v35 =	vsel vm1, $0xFF7FFFFD, v35;
	v3 =	vmax.f32 v3, v37  }
0xc3: {  	v34 =	vsel vm0, $0xFF7FFFFD, v34;
	vm1 =	veq.s32 v2, v11;
	v3 =	vmax.f32 v3, v35  }
0xc4: {  	vm0 =	veq.s32 v2, v8;
	v32 =	vsel vm1, $0xFF7FFFFD, v32;
	v3 =	vmax.f32 v3, v34  }
0xc5: {  	v33 =	vsel vm0, $0xFF7FFFFD, v33;
	v2 =	vmax.f32 v3, v32  }
0xc6: {  	v2 =	vmax.f32 v2, v33  }
0xc7: {  	v4 =	vld [tilespmem:$0x1FFD0];
	(xrf0) =	vmax.scan.msk.f32 $0xffff, v2;
	_ =	sdelay $0x4  }
0xc8: {  	v4 =	vadd.s32 s14, v4;
	v3 =	vld [tilespmem:$0x1FE10]  }
0xc9: {  	[tilespmem:v13+s9+$0x0] =	vst.idx.msk $0x1, v4;
	v4 =	vld [tilespmem:$0x1FE20];
	v2, _, _ =	vpop (xrf0)  }
0xca: {  	v2 =	vbroadcast v2, $0xF;
	_ =	sdelay $0x1  }
0xcb: {  	vm0 =	veq.f32 v33, v2  }
0xcc: {  	vm1 =	veq.f32 v32, v2;
	v3 =	vnsel vm0, $0xC0000000, v3  }
0xcd: {  	v3 =	vsel vm1, v4, v3;
	v4 =	vld [tilespmem:$0x1FE30];
	_ =	sdelay $0x3  }
0xce: {  	vm0 =	veq.f32 v34, v2  }
0xcf: {  	v3 =	vsel vm0, v4, v3;
	v4 =	vld [tilespmem:$0x1FE40];
	_ =	sdelay $0x3  }
0xd0: {  	vm1 =	veq.f32 v35, v2  }
0xd1: {  	v3 =	vsel vm1, v4, v3;
	v4 =	vld [tilespmem:$0x1FE50];
	_ =	sdelay $0x3  }
0xd2: {  	vm0 =	veq.f32 v37, v2  }
0xd3: {  	v3 =	vsel vm0, v4, v3;
	v4 =	vld [tilespmem:$0x1FE60];
	_ =	sdelay $0x3  }
0xd4: {  	vm1 =	veq.f32 v38, v2  }
0xd5: {  	v3 =	vsel vm1, v4, v3;
	v4 =	vld [tilespmem:$0x1FE70];
	_ =	sdelay $0x3  }
0xd6: {  	vm0 =	veq.f32 v40, v2  }
0xd7: {  	v3 =	vsel vm0, v4, v3;
	v4 =	vld [tilespmem:$0x1FE80];
	_ =	sdelay $0x3  }
0xd8: {  	vm1 =	veq.f32 v41, v2  }
0xd9: {  	v3 =	vsel vm1, v4, v3;
	v4 =	vld [tilespmem:$0x1FE90];
	_ =	sdelay $0x3  }
0xda: {  	vm0 =	veq.f32 v42, v2  }
0xdb: {  	v3 =	vsel vm0, v4, v3;
	v4 =	vld [tilespmem:$0x1FEA0];
	_ =	sdelay $0x3  }
0xdc: {  	vm1 =	veq.f32 v43, v2  }
0xdd: {  	v3 =	vsel vm1, v4, v3;
	v4 =	vld [tilespmem:$0x1FEB0];
	_ =	sdelay $0x3  }
0xde: {  	vm0 =	veq.f32 v44, v2  }
0xdf: {  	v3 =	vsel vm0, v4, v3;
	v4 =	vld [tilespmem:$0x1FEC0];
	_ =	sdelay $0x3  }
0xe0: {  	vm1 =	veq.f32 v45, v2  }
0xe1: {  	v3 =	vsel vm1, v4, v3;
	v4 =	vld [tilespmem:$0x1FED0];
	_ =	sdelay $0x3  }
0xe2: {  	vm0 =	veq.f32 v46, v2  }
0xe3: {  	v3 =	vsel vm0, v4, v3;
	v4 =	vld [tilespmem:$0x1FEE0];
	_ =	sdelay $0x3  }
0xe4: {  	vm1 =	veq.f32 v47, v2  }
0xe5: {  	v3 =	vsel vm1, v4, v3;
	v4 =	vld [tilespmem:$0x1FEF0];
	_ =	sdelay $0x3  }
0xe6: {  	vm0 =	veq.f32 v48, v2  }
0xe7: {  	v3 =	vsel vm0, v4, v3;
	v4 =	vld [tilespmem:$0x1FF00];
	_ =	sdelay $0x3  }
0xe8: {  	vm1 =	veq.f32 v49, v2  }
0xe9: {  	v3 =	vsel vm1, v4, v3;
	v4 =	vld [tilespmem:$0x1FF10];
	_ =	sdelay $0x3  }
0xea: {  	vm0 =	veq.f32 v50, v2  }
0xeb: {  	v3 =	vsel vm0, v4, v3;
	v4 =	vld [tilespmem:$0x1FF20];
	_ =	sdelay $0x3  }
0xec: {  	vm1 =	veq.f32 v51, v2  }
0xed: {  	v3 =	vsel vm1, v4, v3;
	v4 =	vld [tilespmem:$0x1FF30];
	_ =	sdelay $0x3  }
0xee: {  	vm0 =	veq.f32 v52, v2  }
0xef: {  	v3 =	vsel vm0, v4, v3;
	v4 =	vld [tilespmem:$0x1FF40];
	_ =	sdelay $0x3  }
0xf0: {  	vm1 =	veq.f32 v53, v2  }
0xf1: {  	v3 =	vsel vm1, v4, v3;
	v4 =	vld [tilespmem:$0x1FF50];
	_ =	sdelay $0x3  }
0xf2: {  	vm0 =	veq.f32 v54, v2  }
0xf3: {  	v3 =	vsel vm0, v4, v3;
	v4 =	vld [tilespmem:$0x1FF60];
	_ =	sdelay $0x3  }
0xf4: {  	vm1 =	veq.f32 v55, v2  }
0xf5: {  	v3 =	vsel vm1, v4, v3;
	v4 =	vld [tilespmem:$0x1FF70];
	_ =	sdelay $0x3  }
0xf6: {  	vm0 =	veq.f32 v56, v2  }
0xf7: {  	v3 =	vsel vm0, v4, v3;
	v4 =	vld [tilespmem:$0x1FF80];
	_ =	sdelay $0x3  }
0xf8: {  	vm1 =	veq.f32 v57, v2  }
0xf9: {  	v3 =	vsel vm1, v4, v3;
	v4 =	vld [tilespmem:$0x1FF90];
	_ =	sdelay $0x3  }
0xfa: {  	vm0 =	veq.f32 v58, v2  }
0xfb: {  	v3 =	vsel vm0, v4, v3;
	v4 =	vld [tilespmem:$0x1FFA0];
	_ =	sdelay $0x3  }
0xfc: {  	vm1 =	veq.f32 v59, v2  }
0xfd: {  	v3 =	vsel vm1, v4, v3;
	v4 =	vld [tilespmem:$0x1FFB0];
	_ =	sdelay $0x3  }
0xfe: {  	vm0 =	veq.f32 v60, v2  }
0xff: {  	v3 =	vsel vm0, v4, v3;
	v4 =	vld [tilespmem:$0x1FFC0];
	_ =	sdelay $0x3  }
0x100: {  	vm1 =	veq.f32 v61, v2  }
0x101: {  	v3 =	vsel vm1, v4, v3;
	v4 =	vld [tilespmem:$0x1FFE0];
	_ =	sdelay $0x3  }
0x102: {  	vm0 =	veq.f32 v62, v2  }
0x103: {  	v3 =	vsel vm0, v4, v3;
	v4 =	vld [tilespmem:$0x1FFF0];
	_ =	sdelay $0x3  }
0x104: {  	vm1 =	veq.f32 v1, v2  }
0x105: {  	vm0 =	veq.f32 v0, v2;
	v3 =	vsel vm1, v4, v3;
	vm1 =	veq.f32 v63, v2;
	v2 =	vld [tilespmem:$0x1FDC0];
	_ =	sdelay $0x4  }
0x106: {  	v2 =	vsel vm0, v2, v3;
	v3 =	vld [tilespmem:$0x1FDD0];
	_ =	sdelay $0x4  }
0x107: {  	v2 =	vsel vm1, v3, v2  }
0x108: {  	(xrf0) =	vmin.scan.msk.u32 $0xffff, v2;
	_ =	sdelay $0x5  }
0x109: {  	v2, _, _ =	vpop (xrf0)  }
0x10a: {  	(v2sf) =	vpush v2, $0xF;
	_ =	sdelay $0xe  }
0x10b: {  	p0 =	sne.s32 s15, $0x33;
	s31 =	spop (v2sf)  }
.Ltmp1:
0x10c: {  	s14 =	sxor.u32 $0x80000000, s31;
	(pc) =	sbr.rel @p0 .LBB2_3-.Ltmp1, $4  }
0x10d: {  	v13 =	vmov s13;
	v3 =	vlaneseq.u32;
	v2 =	vmov s14  }
0x10e: {  	vm0 =	veq.s32 v2, v3;
	vm1 =	veq.s32 v2, v30;
	vm2 =	veq.s32 v2, v29  }
0x10f: {  	v63 =	vsel vm0, $0xFF7FFFFD, v63;
	v0 =	vsel vm1, $0xFF7FFFFD, v0;
	v1 =	vsel vm2, $0xFF7FFFFD, v1  }
0x110: {  	s13 =	smov.u32 s15;
	s15 =	sadd.s32 $0x1, s15;
	vm1 =	veq.s32 v2, v36;
	vm0 =	veq.s32 v2, v39;
	v3 =	vmax.f32 v63, v0  }
0x111: {  	v29 =	vsel vm1, $0xFF7FFFFD, v62;
	v3 =	vmax.f32 v3, v1  }
0x112: {  	vm5 =	veq.s32 v2, v31;
	v30 =	vsel vm0, $0xFF7FFFFD, v61;
	vm6 =	veq.s32 v2, v28  }
0x113: {  	vm7 =	veq.s32 v2, v27;
	vm8 =	veq.s32 v2, v26;
	v3 =	vmax.f32 v3, v29  }
0x114: {  	vm9 =	veq.s32 v2, v25;
	v28 =	vsel vm5, $0xFF7FFFFD, v60;
	v3 =	vmax.f32 v3, v30  }
0x115: {  	vm10 =	veq.s32 v2, v24;
	v27 =	vsel vm6, $0xFF7FFFFD, v59;
	v3 =	vmax.f32 v3, v28  }
0x116: {  	vm11 =	veq.s32 v2, v23;
	v4 =	vsel vm7, $0xFF7FFFFD, v58;
	v3 =	vmax.f32 v3, v27  }
0x117: {  	vm12 =	veq.s32 v2, v22;
	v25 =	vsel vm8, $0xFF7FFFFD, v57;
	v3 =	vmax.f32 v3, v4  }
0x118: {  	vm13 =	veq.s32 v2, v21;
	v24 =	vsel vm9, $0xFF7FFFFD, v56;
	v3 =	vmax.f32 v3, v25  }
0x119: {  	vm14 =	veq.s32 v2, v20;
	v23 =	vsel vm10, $0xFF7FFFFD, v55;
	v3 =	vmax.f32 v3, v24  }
0x11a: {  	vm15 =	veq.s32 v2, v19;
	v22 =	vsel vm11, $0xFF7FFFFD, v54;
	v3 =	vmax.f32 v3, v23  }
0x11b: {  	vm4 =	veq.s32 v2, v18;
	v21 =	vsel vm12, $0xFF7FFFFD, v53;
	v3 =	vmax.f32 v3, v22  }
0x11c: {  	v20 =	vsel vm13, $0xFF7FFFFD, v52;
	v19 =	vsel vm14, $0xFF7FFFFD, v51;
	v3 =	vmax.f32 v3, v21  }
0x11d: {  	v56 =	vsel vm15, $0xFF7FFFFD, v50;
	vm5 =	veq.s32 v2, v17;
	v3 =	vmax.f32 v3, v20  }
0x11e: {  	v57 =	vsel vm4, $0xFF7FFFFD, v49;
	vm6 =	veq.s32 v2, v16;
	v3 =	vmax.f32 v3, v19  }
0x11f: {  	vm7 =	veq.s32 v2, v15;
	vm8 =	veq.s32 v2, v14;
	v3 =	vmax.f32 v3, v56  }
0x120: {  	vm9 =	veq.s32 v2, v12;
	v58 =	vsel vm5, $0xFF7FFFFD, v48;
	v3 =	vmax.f32 v3, v57  }
0x121: {  	vm11 =	veq.s32 v2, v7;
	v59 =	vsel vm6, $0xFF7FFFFD, v47;
	v3 =	vmax.f32 v3, v58  }
0x122: {  	vm12 =	veq.s32 v2, v6;
	v60 =	vsel vm7, $0xFF7FFFFD, v46;
	v3 =	vmax.f32 v3, v59  }
0x123: {  	v61 =	vsel vm8, $0xFF7FFFFD, v45;
	v6 =	vsel vm11, $0xFF7FFFFD, v42;
	v42 =	vld [tilespmem:$0x1FDE0];
	v3 =	vmax.f32 v3, v60  }
0x124: {  	vm10 =	veq.s32 v2, v9;
	v62 =	vsel vm9, $0xFF7FFFFD, v44;
	v44 =	vld [tilespmem:$0x1FDF0];
	v3 =	vmax.f32 v3, v61  }
0x125: {  	v36 =	vld [tilespmem:$0x1FE00];
	v7 =	vsel vm10, $0xFF7FFFFD, v43;
	v3 =	vmax.f32 v3, v62  }
0x126: {  	v3 =	vmax.f32 v3, v7  }
0x127: {  	vm13 =	veq.s32 v2, v5;
	v5 =	vsel vm12, $0xFF7FFFFD, v41;
	v3 =	vmax.f32 v3, v6  }
0x128: {  	v43 =	vsel vm13, $0xFF7FFFFD, v40;
	vm14 =	veq.s32 v2, v42;
	v3 =	vmax.f32 v3, v5  }
0x129: {  	vm15 =	veq.s32 v2, v44;
	v45 =	vsel vm14, $0xFF7FFFFD, v38;
	v3 =	vmax.f32 v3, v43  }
0x12a: {  	vm4 =	veq.s32 v2, v36;
	v46 =	vsel vm15, $0xFF7FFFFD, v37;
	v3 =	vmax.f32 v3, v45  }
0x12b: {  	vm5 =	veq.s32 v2, v10;
	v47 =	vsel vm4, $0xFF7FFFFD, v35;
	v3 =	vmax.f32 v3, v46  }
0x12c: {  	vm6 =	veq.s32 v2, v11;
	v48 =	vsel vm5, $0xFF7FFFFD, v34;
	v3 =	vmax.f32 v3, v47  }
0x12d: {  	vm7 =	veq.s32 v2, v8;
	v49 =	vsel vm6, $0xFF7FFFFD, v32;
	v3 =	vmax.f32 v3, v48  }
0x12e: {  	v8 =	vsel vm7, $0xFF7FFFFD, v33;
	v3 =	vmax.f32 v3, v49  }
0x12f: {  	v3 =	vmax.f32 v3, v8  }
0x130: {  	(xrf0) =	vmax.scan.msk.f32 $0xffff, v3;
	_ =	sdelay $0x4  }
0x131: {  	v50 =	vld [tilespmem:$0x1FE10]  }
0x132: {  	v51 =	vld [tilespmem:$0x1FE20];
	v3, _, _ =	vpop (xrf0)  }
0x133: {  	v52 =	vld [tilespmem:$0x1FE30];
	v3 =	vbroadcast v3, $0xF  }
0x134: {  	v53 =	vld [tilespmem:$0x1FE40]  }
0x135: {  	v54 =	vld [tilespmem:$0x1FE50];
	vm8 =	veq.f32 v8, v3  }
0x136: {  	v55 =	vld [tilespmem:$0x1FE60];
	vm9 =	veq.f32 v49, v3;
	v2 =	vnsel vm8, $0xC0000000, v50  }
0x137: {  	vm10 =	veq.f32 v48, v3;
	vm15 =	veq.f32 v5, v3;
	v5 =	vld [tilespmem:$0x1FE70];
	v2 =	vsel vm9, v51, v2  }
0x138: {  	vm11 =	veq.f32 v47, v3;
	v2 =	vsel vm10, v52, v2  }
0x139: {  	vm12 =	veq.f32 v46, v3;
	v2 =	vsel vm11, v53, v2  }
0x13a: {  	vm13 =	veq.f32 v45, v3;
	v2 =	vsel vm12, v54, v2  }
0x13b: {  	vm14 =	veq.f32 v43, v3;
	v2 =	vsel vm13, v55, v2  }
0x13c: {  	v2 =	vsel vm14, v5, v2;
	v5 =	vld [tilespmem:$0x1FE80];
	_ =	sdelay $0x4  }
0x13d: {  	v2 =	vsel vm15, v5, v2;
	v5 =	vld [tilespmem:$0x1FE90];
	_ =	sdelay $0x3  }
0x13e: {  	vm4 =	veq.f32 v6, v3  }
0x13f: {  	v2 =	vsel vm4, v5, v2;
	v5 =	vld [tilespmem:$0x1FEA0];
	_ =	sdelay $0x3  }
0x140: {  	vm5 =	veq.f32 v7, v3  }
0x141: {  	v2 =	vsel vm5, v5, v2;
	v5 =	vld [tilespmem:$0x1FEB0];
	_ =	sdelay $0x3  }
0x142: {  	vm6 =	veq.f32 v62, v3  }
0x143: {  	v2 =	vsel vm6, v5, v2;
	v5 =	vld [tilespmem:$0x1FEC0];
	_ =	sdelay $0x3  }
0x144: {  	vm7 =	veq.f32 v61, v3  }
0x145: {  	v2 =	vsel vm7, v5, v2;
	v5 =	vld [tilespmem:$0x1FED0];
	_ =	sdelay $0x3  }
0x146: {  	vm8 =	veq.f32 v60, v3  }
0x147: {  	v2 =	vsel vm8, v5, v2;
	v5 =	vld [tilespmem:$0x1FEE0];
	_ =	sdelay $0x3  }
0x148: {  	vm9 =	veq.f32 v59, v3  }
0x149: {  	v2 =	vsel vm9, v5, v2;
	v5 =	vld [tilespmem:$0x1FEF0];
	_ =	sdelay $0x3  }
0x14a: {  	vm10 =	veq.f32 v58, v3  }
0x14b: {  	v2 =	vsel vm10, v5, v2;
	v5 =	vld [tilespmem:$0x1FF00];
	_ =	sdelay $0x3  }
0x14c: {  	vm11 =	veq.f32 v57, v3  }
0x14d: {  	v2 =	vsel vm11, v5, v2;
	v5 =	vld [tilespmem:$0x1FF10];
	_ =	sdelay $0x3  }
0x14e: {  	vm12 =	veq.f32 v56, v3  }
0x14f: {  	v2 =	vsel vm12, v5, v2;
	v5 =	vld [tilespmem:$0x1FF20];
	_ =	sdelay $0x3  }
0x150: {  	vm13 =	veq.f32 v19, v3  }
0x151: {  	v2 =	vsel vm13, v5, v2;
	v5 =	vld [tilespmem:$0x1FF30];
	_ =	sdelay $0x3  }
0x152: {  	vm14 =	veq.f32 v20, v3  }
0x153: {  	v2 =	vsel vm14, v5, v2;
	v5 =	vld [tilespmem:$0x1FF40];
	_ =	sdelay $0x3  }
0x154: {  	vm15 =	veq.f32 v21, v3  }
0x155: {  	v2 =	vsel vm15, v5, v2;
	v5 =	vld [tilespmem:$0x1FF50];
	_ =	sdelay $0x3  }
0x156: {  	vm4 =	veq.f32 v22, v3  }
0x157: {  	v2 =	vsel vm4, v5, v2;
	v5 =	vld [tilespmem:$0x1FF60];
	_ =	sdelay $0x3  }
0x158: {  	vm5 =	veq.f32 v23, v3  }
0x159: {  	v2 =	vsel vm5, v5, v2;
	v5 =	vld [tilespmem:$0x1FF70]  }
0x15a: {  	vm8 =	veq.f32 v4, v3;
	v4 =	vld [tilespmem:$0x1FF80];
	_ =	sdelay $0x2  }
0x15b: {  	vm6 =	veq.f32 v24, v3  }
0x15c: {  	vm7 =	veq.f32 v25, v3;
	v2 =	vsel vm6, v5, v2  }
0x15d: {  	v2 =	vsel vm7, v4, v2;
	v4 =	vld [tilespmem:$0x1FF90];
	_ =	sdelay $0x4  }
0x15e: {  	v2 =	vsel vm8, v4, v2;
	v4 =	vld [tilespmem:$0x1FFA0];
	_ =	sdelay $0x3  }
0x15f: {  	vm9 =	veq.f32 v27, v3  }
0x160: {  	v2 =	vsel vm9, v4, v2;
	v4 =	vld [tilespmem:$0x1FFB0];
	_ =	sdelay $0x3  }
0x161: {  	vm10 =	veq.f32 v28, v3  }
0x162: {  	v2 =	vsel vm10, v4, v2;
	v4 =	vld [tilespmem:$0x1FFC0]  }
0x163: {  	v56 =	vld [tilespmem:$0x1FFE0]  }
0x164: {  	v57 =	vld [tilespmem:$0x1FFF0]  }
0x165: {  	v58 =	vld [tilespmem:$0x1FDC0]  }
0x166: {  	v59 =	vld [tilespmem:$0x1FDD0];
	vm11 =	veq.f32 v30, v3  }
0x167: {  	vm12 =	veq.f32 v29, v3;
	v2 =	vsel vm11, v4, v2  }
0x168: {  	vm13 =	veq.f32 v1, v3;
	v1 =	vsel vm12, v56, v2  }
0x169: {  	vm14 =	veq.f32 v0, v3;
	v0 =	vsel vm13, v57, v1  }
0x16a: {  	vm15 =	veq.f32 v63, v3;
	v0 =	vsel vm14, v58, v0  }
0x16b: {  	v0 =	vsel vm15, v59, v0  }
0x16c: {  	(xrf0) =	vmin.scan.msk.u32 $0xffff, v0;
	_ =	sdelay $0x5  }
0x16d: {  	v0, _, _ =	vpop (xrf0)  }
0x16e: {  	(v2sf) =	vpush v0, $0xF;
	_ =	sdelay $0xa  }
0x16f: {  	v61 =	vld [tilespmem:$0x1FFD0];
	_ =	sdelay $0x1  }
0x170: {  	v60 =	vmov s13;
	_ =	sdelay $0x1  }
0x171: {  	s31 =	spop (v2sf)  }
0x172: {  	v62 =	vadd.s32 s14, v61;
	s13 =	sxor.u32 $0x80000000, s31  }
0x173: {  	[tilespmem:v13+s9+$0x0] =	vst.idx.msk $0x1, v62;
	v63 =	vadd.s32 s13, v61  }
0x174: {  	[tilespmem:v60+s9+$0x0] =	vst.idx.msk $0x1, v63  }
0x175: {  	[tilespmem:s11], [sflag:$0x1] =	stream.indirect.gather [hbm4b:s2+s10], $0x40, s9, s10, $0xb8;
	[tilespmem:$0x1240] =	vst v63  }
0x176: {  	s12 =	sadd.s32 $0x1, s12;
	_ =	swait.ge [sflag:s5], $0x1000  }
0x177: {  	p0 =	sne.s32 s12, s7;
	[sflag:s5] =	ssyncset.done $0x0  }
.Ltmp2:
0x178: {  	[sflag:s5] =	ssyncadd.s32 $0xFFFFF000;
	(pc) =	sbr.rel @p0 .LBB2_2-.Ltmp2, $4  }
0x179: {  	[hbm4b:s4+s3] =	stream.linear.scatter [tilespmem:s11], [sflag:$0x2], $0xD00, $0x38;
	[tilespmem:$0x1240] =	vst v63  }
0x17a: {  	_ =	swait.ge [sflag:s8], $0xD00  }
0x17b: {  	[sflag:s8] =	ssyncset.done $0x0  }
0x17c: {  	v4 =	vlaneseq.u32;
	[sflag:s8] =	ssyncadd.s32 $0xFFFFF300  }
.LBB2_5:
0x17d: {  	_ =	sfence.sel $0x180000  }
0x17e: {  	[bflag:$0x0] =	sbarrier.arrive $0xFFFF  }
0x17f: {  	p0 =	sne.s32 s1, $0x0;
	_ =	strace $0x90000047  }
0x180: {  	s0 =	sadd.s32 @!p0 $0x100000, s0;
	[bflag:$0x2] =	sbarrier.arrive $0xFFFF  }
0x181: {  	[sflag:s0] =	ssyncadd.tile.s32 @!p0 $0x1;
	_ =	shalt  }
.Lfunc_end2:
_tile_overlayer_lowered:
.L_overlay_start_2:
0x182: {  	(tag) =	ssettag $0x2  }
0x183: {  	s0 =	rddreg [dreg:$0x0];
	s2 =	stileid.u32  }
0x184: {  	s1 =	rddreg [dreg:$0x1];
	p0 =	sne.s32 s2, $0x0  }
0x185: {  	s3 =	rddreg [dreg:$0x2];
	[bflag:$0x3] =	sbarrier.arrive $0xFFFF;
	s2 =	simm.s32 @!p0 $0x1C02  }
0x186: {  	[timem:s3], [sflag:s2] =	dma.local @!p0 [hbm:s0], s1  }
0x187: {  	s0 =	simm.s32 @!p0 $0x2  }
0x188: {  	_ =	swait.ge @!p0 [sflag:s0], s1  }
0x189: {  	s1 =	ssub.s32 @!p0 $0x0, s1;
	[sflag:s0] =	ssyncset.done @!p0 $0x0  }
0x18a: {  	[sflag:s0] =	ssyncadd.s32 @!p0 s1  }
0x18b: {  	[bflag:$0x3] =	sbarrier.arrive $0xFFFF  }
0x18c: {  	_ =	shalt  }

</sc_bundles>
